<compile_context>
chip_gen: v7x
topology: tpu7x:2x2x1
jax: 0.10.2.dev20260603
libtpu: 0.0.44.dev20260713+nightly
codegen_flags: <defaults>
</compile_context>

<pallas_src>
import functools
import jax
import jax.numpy as jnp
from jax import lax
from jax.experimental import pallas as pl
from jax.experimental.pallas import tpu as pltpu
from jax.experimental.pallas import tpu_sc as plsc

N_NODES = 10000
N_PAD = 10240
N_EDGES = 320000
D = 128

NC = 2
NS = 16
NW = NC * NS
EDGES_PER_W = N_EDGES // NW
EDGE_BLK = 100
N_CHUNKS = EDGES_PER_W // EDGE_BLK
NBUF = 3
N_RING = N_CHUNKS // NBUF
N_TAIL = N_CHUNKS - NBUF * N_RING
ROWS_PER_S = N_PAD // NS


@functools.lru_cache(maxsize=None)
def _make_sc_scatter(width):
    mesh = plsc.VectorSubcoreMesh(core_axis_name="c", subcore_axis_name="s")

    def body(y_hbm, ei_hbm, zeros_hbm, p_hbm, idx0, idx1, idx2,
             rows0, rows1, rows2, acc_s, g0, g1, g2, s0, s1, s2):
        c = lax.axis_index("c")
        s = lax.axis_index("s")
        wid = s * NC + c
        rbase = s * ROWS_PER_S
        pltpu.sync_copy(zeros_hbm.at[pl.ds(rbase, ROWS_PER_S)],
                        acc_s.at[pl.ds(rbase, ROWS_PER_S)])
        plsc.subcore_barrier()

        idx = (idx0, idx1, idx2)
        rows = (rows0, rows1, rows2)
        gsem = (g0, g1, g2)
        ssem = (s0, s1, s2)

        def ring(i, carry):
            for k in range(NBUF):
                @pl.when(i > 0)
                def _(k=k):
                    pltpu.make_async_copy(
                        rows[k], acc_s.at[idx[k].at[1]], ssem[k]).wait()
                pltpu.sync_copy(ei_hbm.at[wid, i * NBUF + k], idx[k])
                pltpu.async_copy(y_hbm.at[idx[k].at[0]], rows[k], gsem[k])
            for k in range(NBUF):
                pltpu.make_async_copy(
                    y_hbm.at[idx[k].at[0]], rows[k], gsem[k]).wait()
                pltpu.async_copy(
                    rows[k], acc_s.at[idx[k].at[1]], ssem[k], add=True)
            return carry

        lax.fori_loop(0, N_RING, ring, 0)
        for k in range(N_TAIL):
            pltpu.make_async_copy(
                rows[k], acc_s.at[idx[k].at[1]], ssem[k]).wait()
            pltpu.sync_copy(ei_hbm.at[wid, N_RING * NBUF + k], idx[k])
            pltpu.async_copy(y_hbm.at[idx[k].at[0]], rows[k], gsem[k])
        for k in range(N_TAIL):
            pltpu.make_async_copy(
                y_hbm.at[idx[k].at[0]], rows[k], gsem[k]).wait()
            pltpu.async_copy(
                rows[k], acc_s.at[idx[k].at[1]], ssem[k], add=True)
        for k in range(N_TAIL, NBUF):
            pltpu.make_async_copy(
                rows[k], acc_s.at[idx[k].at[1]], ssem[k]).wait()
        for k in range(N_TAIL):
            pltpu.make_async_copy(
                rows[k], acc_s.at[idx[k].at[1]], ssem[k]).wait()
        plsc.subcore_barrier()

        pltpu.sync_copy(acc_s.at[pl.ds(rbase, ROWS_PER_S)],
                        p_hbm.at[c, pl.ds(rbase, ROWS_PER_S)])

    return pl.kernel(
        body,
        out_type=jax.ShapeDtypeStruct((NC, N_PAD, width), jnp.float32),
        mesh=mesh,
        scratch_types=(
            [pltpu.VMEM((2, EDGE_BLK), jnp.int32) for _ in range(NBUF)]
            + [pltpu.VMEM((EDGE_BLK, width), jnp.float32)
               for _ in range(NBUF)]
            + [pltpu.VMEM_SHARED((N_PAD, width), jnp.float32)]
            + [pltpu.SemaphoreType.DMA] * (2 * NBUF)
        ),
    )


@functools.lru_cache(maxsize=None)
def _make_sc_deg():
    mesh = plsc.VectorSubcoreMesh(core_axis_name="c", subcore_axis_name="s")

    def body(dst_hbm, zeros_hbm, ones_hbm, degp_hbm, dst_i, ones_v, acc_s):
        c = lax.axis_index("c")
        s = lax.axis_index("s")
        wid = s * NC + c
        rbase = s * ROWS_PER_S
        pltpu.sync_copy(zeros_hbm.at[pl.ds(rbase, ROWS_PER_S)],
                        acc_s.at[pl.ds(rbase, ROWS_PER_S)])
        pltpu.sync_copy(ones_hbm, ones_v)
        pltpu.sync_copy(dst_hbm.at[wid], dst_i)
        plsc.subcore_barrier()

        def chunk(i, carry):
            pltpu.sync_copy(ones_v, acc_s.at[dst_i.at[i]], add=True)
            return carry

        lax.fori_loop(0, N_CHUNKS, chunk, 0)
        plsc.subcore_barrier()

        pltpu.sync_copy(acc_s.at[pl.ds(rbase, ROWS_PER_S)],
                        degp_hbm.at[c, pl.ds(rbase, ROWS_PER_S)])

    return pl.kernel(
        body,
        out_type=jax.ShapeDtypeStruct((NC, N_PAD, D), jnp.float32),
        mesh=mesh,
        scratch_types=[
            pltpu.VMEM((N_CHUNKS, EDGE_BLK), jnp.int32),
            pltpu.VMEM((EDGE_BLK, D), jnp.float32),
            pltpu.VMEM_SHARED((N_PAD, D), jnp.float32),
        ],
    )



ROW_BLK = 640
N_ROW_BLKS = N_PAD // ROW_BLK


def _tc_in_body(x_ref, wl_ref, wr_ref, b_ref, y_ref, z_ref):
    x = x_ref[...]
    y_ref[...] = jnp.dot(x, wl_ref[...], preferred_element_type=jnp.float32)
    z_ref[...] = (jnp.dot(x, wr_ref[...], preferred_element_type=jnp.float32)
                  + b_ref[...])


def _tc_in(x, W_l, W_r, b):
    return pl.pallas_call(
        _tc_in_body,
        grid=(N_ROW_BLKS,),
        in_specs=[
            pl.BlockSpec((ROW_BLK, D), lambda i: (i, 0)),
            pl.BlockSpec((D, D), lambda i: (0, 0)),
            pl.BlockSpec((D, D), lambda i: (0, 0)),
            pl.BlockSpec((1, D), lambda i: (0, 0)),
        ],
        out_specs=[
            pl.BlockSpec((ROW_BLK, D), lambda i: (i, 0)),
            pl.BlockSpec((ROW_BLK, D), lambda i: (i, 0)),
        ],
        out_shape=[
            jax.ShapeDtypeStruct((N_PAD, D), jnp.float32),
            jax.ShapeDtypeStruct((N_PAD, D), jnp.float32),
        ],
    )(x, W_l, W_r, b.reshape(1, D))


def _tc_mid_body(p0_ref, p1_ref, d0_ref, d1_ref, z_ref, wl_ref, wr_ref,
                 b_ref, y_ref, z2_ref, r_ref):
    deg = d0_ref[:, 0:1] + d1_ref[:, 0:1]
    r = 1.0 / jnp.maximum(deg, 1.0)
    agg = p0_ref[...] + p1_ref[...]
    h = jnp.maximum(agg * r + z_ref[...], 0.0)
    y_ref[...] = jnp.dot(h, wl_ref[...], preferred_element_type=jnp.float32)
    z2_ref[...] = (jnp.dot(h, wr_ref[...], preferred_element_type=jnp.float32)
                   + b_ref[...])
    r_ref[...] = jnp.broadcast_to(r, (ROW_BLK, 8))


def _tc_mid(p0, p1, d0, d1, z1, W_l, W_r, b):
    return pl.pallas_call(
        _tc_mid_body,
        grid=(N_ROW_BLKS,),
        in_specs=[
            pl.BlockSpec((ROW_BLK, D), lambda i: (i, 0)),
            pl.BlockSpec((ROW_BLK, D), lambda i: (i, 0)),
            pl.BlockSpec((ROW_BLK, D), lambda i: (i, 0)),
            pl.BlockSpec((ROW_BLK, D), lambda i: (i, 0)),
            pl.BlockSpec((ROW_BLK, D), lambda i: (i, 0)),
            pl.BlockSpec((D, D), lambda i: (0, 0)),
            pl.BlockSpec((D, D), lambda i: (0, 0)),
            pl.BlockSpec((1, D), lambda i: (0, 0)),
        ],
        out_specs=[
            pl.BlockSpec((ROW_BLK, D), lambda i: (i, 0)),
            pl.BlockSpec((ROW_BLK, D), lambda i: (i, 0)),
            pl.BlockSpec((ROW_BLK, 8), lambda i: (i, 0)),
        ],
        out_shape=[
            jax.ShapeDtypeStruct((N_PAD, D), jnp.float32),
            jax.ShapeDtypeStruct((N_PAD, D), jnp.float32),
            jax.ShapeDtypeStruct((N_PAD, 8), jnp.float32),
        ],
    )(p0, p1, d0, d1, z1, W_l, W_r, b.reshape(1, D))


def _tc_out_body(q0_ref, q1_ref, r_ref, z_ref, o_ref):
    r = r_ref[...][:, 0:1]
    o_ref[...] = (q0_ref[...] + q1_ref[...]) * r + z_ref[...]


def _tc_out(q0, q1, r, z2):
    return pl.pallas_call(
        _tc_out_body,
        grid=(N_ROW_BLKS,),
        in_specs=[
            pl.BlockSpec((ROW_BLK, D), lambda i: (i, 0)),
            pl.BlockSpec((ROW_BLK, D), lambda i: (i, 0)),
            pl.BlockSpec((ROW_BLK, 8), lambda i: (i, 0)),
            pl.BlockSpec((ROW_BLK, D), lambda i: (i, 0)),
        ],
        out_specs=pl.BlockSpec((ROW_BLK, D), lambda i: (i, 0)),
        out_shape=jax.ShapeDtypeStruct((N_PAD, D), jnp.float32),
    )(q0, q1, r, z2)


@jax.jit
def kernel(x, edge_index, W1_l, W1_r, b1, W2_l, W2_r, b2):
    src = edge_index[0].astype(jnp.int32).reshape(NW, N_CHUNKS, EDGE_BLK)
    dst = edge_index[1].astype(jnp.int32).reshape(NW, N_CHUNKS, EDGE_BLK)
    ei = jnp.stack([src, dst], axis=2)
    zeros = jnp.zeros((N_PAD, D), jnp.float32)
    ones = jnp.ones((EDGE_BLK, D), jnp.float32)
    xp = jnp.pad(x, ((0, N_PAD - N_NODES), (0, 0)))

    degp = _make_sc_deg()(dst, zeros, ones)
    y1, z1 = _tc_in(xp, W1_l, W1_r, b1)
    p = _make_sc_scatter(D)(y1, ei, zeros)
    y2, z2, r = _tc_mid(p[0], p[1], degp[0], degp[1], z1, W2_l, W2_r, b2)
    q = _make_sc_scatter(D)(y2, ei, zeros)
    return _tc_out(q[0], q[1], r, z2)[:N_NODES]

# --- scband reference (transcript-rebuilt; emitter-appended) ---
"""Pipeline reference for scband-net-64725157151033 (READ-ONLY COPY).

The authoritative reference and input builder live on the scoring server;
editing this copy changes nothing except your own understanding.
"""

import jax, jax.numpy as jnp
import numpy as np

N_NODES = 10000
N_EDGES = 320000
D_IN = 128
D_HID = 128
D_OUT = 128


def setup_inputs(seed: int = 0) -> dict:
    key = jax.random.key(seed)
    k_x, k_ei, k1, k2, k3, k4 = jax.random.split(key, 6)
    x = jax.random.normal(k_x, (N_NODES, D_IN), dtype=jnp.float32)
    edge_index = jax.random.randint(k_ei, (2, N_EDGES), 0, N_NODES, dtype=jnp.int64)
    s1 = 1.0 / np.sqrt(D_IN)
    s2 = 1.0 / np.sqrt(D_HID)
    W1_l = jax.random.uniform(k1, (D_IN, D_HID), dtype=jnp.float32, minval=-s1, maxval=s1)
    W1_r = jax.random.uniform(k2, (D_IN, D_HID), dtype=jnp.float32, minval=-s1, maxval=s1)
    b1 = jnp.zeros((D_HID,), dtype=jnp.float32)
    W2_l = jax.random.uniform(k3, (D_HID, D_OUT), dtype=jnp.float32, minval=-s2, maxval=s2)
    W2_r = jax.random.uniform(k4, (D_HID, D_OUT), dtype=jnp.float32, minval=-s2, maxval=s2)
    b2 = jnp.zeros((D_OUT,), dtype=jnp.float32)
    return {"x": x, "edge_index": edge_index, "W1_l": W1_l, "W1_r": W1_r, "b1": b1,
            "W2_l": W2_l, "W2_r": W2_r, "b2": b2}


def _sage_conv(x, edge_index, W_l, W_r, b):
    # SAGEConv with mean aggregation:
    # out_i = W_l @ mean_{j in N(i)} x_j + W_r @ x_i + b
    src = edge_index[0]
    dst = edge_index[1]
    n = x.shape[0]
    msgs = jnp.take(x, src, axis=0)                      # gather over source nodes
    agg = jax.ops.segment_sum(msgs, dst, num_segments=n)  # scatter-add to dst
    deg = jax.ops.segment_sum(jnp.ones((src.shape[0],), dtype=x.dtype), dst, num_segments=n)
    agg = agg / jnp.maximum(deg, 1.0)[:, None]
    return agg @ W_l + x @ W_r + b


def reference(x, edge_index, W1_l, W1_r, b1, W2_l, W2_r, b2):
    h = _sage_conv(x, edge_index, W1_l, W1_r, b1)
    h = jax.nn.relu(h)
    # dropout is identity in eval mode
    out = _sage_conv(h, edge_index, W2_l, W2_r, b2)
    return out

if __name__ == "__main__":
    import jax
    _d = setup_inputs()
    print(jax.jit(kernel)(*tuple(_d.values())))

</pallas_src>

<mosaic_0001>
#map = affine_map<(d0, d1) -> (0, 0)>
#map1 = affine_map<(d0, d1) -> (0, 0, 0, 0)>
#map2 = affine_map<(d0, d1) -> (0, 0, 0)>
module attributes {stable_mosaic.version = 14 : i64} {
  func.func @body(%arg0: i32, %arg1: i32, %arg2: memref<10240x128xf32, #tpu.memory_space<hbm>>, %arg3: memref<32x100x2x100xi32, #tpu.memory_space<hbm>>, %arg4: memref<10240x128xf32, #tpu.memory_space<hbm>>, %arg5: memref<2x10240x128xf32, #tpu.memory_space<hbm>>, %arg6: memref<2x100xi32, #tpu.memory_space<vmem>>, %arg7: memref<2x100xi32, #tpu.memory_space<vmem>>, %arg8: memref<2x100xi32, #tpu.memory_space<vmem>>, %arg9: memref<100x128xf32, #tpu.memory_space<vmem>>, %arg10: memref<100x128xf32, #tpu.memory_space<vmem>>, %arg11: memref<100x128xf32, #tpu.memory_space<vmem>>, %arg12: memref<10240x128xf32, #tpu.memory_space<vmem_shared>>, %arg13: memref<!tpu.dma_semaphore, #tpu.memory_space<semaphore_mem>>, %arg14: memref<!tpu.dma_semaphore, #tpu.memory_space<semaphore_mem>>, %arg15: memref<!tpu.dma_semaphore, #tpu.memory_space<semaphore_mem>>, %arg16: memref<!tpu.dma_semaphore, #tpu.memory_space<semaphore_mem>>, %arg17: memref<!tpu.dma_semaphore, #tpu.memory_space<semaphore_mem>>, %arg18: memref<!tpu.dma_semaphore, #tpu.memory_space<semaphore_mem>>) attributes {dimension_semantics = [#tpu.dimension_semantics<core_parallel>, #tpu.dimension_semantics<subcore_parallel>], iteration_bounds = array<i64: 2, 16>, scalar_prefetch = 0 : i64, scratch_operands = 13 : i64, tpu.core_type = #tpu.core_type<sc_vector_subcore>, window_params = [{transform_indices = #map}, {transform_indices = #map1}, {transform_indices = #map}, {transform_indices = #map2}]} {
    %mul3A = arith.constant 2 : i32
    %mul3A_0 = arith.muli %arg1, %mul3A : i32
    %add3A = arith.addi %mul3A_0, %arg0 : i32
    %mul3A_1 = arith.constant 640 : i32
    %mul3A_2 = arith.muli %arg1, %mul3A_1 : i32
    "tpu.region"() ({
      %run_scoped3A_56 = tpu.sem_alloc : memref<!tpu.dma_semaphore, #tpu.memory_space<semaphore_mem>>
      %dma_start3A_57 = arith.constant 0 : i32
      %dma_start3A_58 = tpu.memref_slice %arg12[%mul3A_2, %dma_start3A_57] : memref<10240x128xf32, #tpu.memory_space<vmem_shared>> -> memref<640x128xf32, #tpu.memory_space<vmem_shared>>
      %dma_start3A_59 = arith.constant 0 : i32
      %dma_start3A_60 = tpu.memref_slice %arg4[%mul3A_2, %dma_start3A_59] : memref<10240x128xf32, #tpu.memory_space<hbm>> -> memref<640x128xf32, #tpu.memory_space<hbm>>
      tpu.enqueue_dma source(%dma_start3A_60 : memref<640x128xf32, #tpu.memory_space<hbm>>) target(%dma_start3A_58 : memref<640x128xf32, #tpu.memory_space<vmem_shared>>) target_semaphore(%run_scoped3A_56 : memref<!tpu.dma_semaphore, #tpu.memory_space<semaphore_mem>>)
      %dma_wait3A_61 = arith.constant 0 : i32
      %dma_wait3A_62 = tpu.memref_slice %arg12[%mul3A_2, %dma_wait3A_61] : memref<10240x128xf32, #tpu.memory_space<vmem_shared>> -> memref<640x128xf32, #tpu.memory_space<vmem_shared>>
      %dma_wait3A_63 = arith.constant 0 : i32
      %dma_wait3A_64 = tpu.memref_slice %arg4[%mul3A_2, %dma_wait3A_63] : memref<10240x128xf32, #tpu.memory_space<hbm>> -> memref<640x128xf32, #tpu.memory_space<hbm>>
      tpu.wait_dma2 semaphore(%run_scoped3A_56 : memref<!tpu.dma_semaphore, #tpu.memory_space<semaphore_mem>>) src(%dma_wait3A_64 : memref<640x128xf32, #tpu.memory_space<hbm>>) dst(%dma_wait3A_62 : memref<640x128xf32, #tpu.memory_space<vmem_shared>>)
      tpu.yield
    }) : () -> ()
    %barrier3A = arith.constant 0 : index
    tpu.barrier barrier_id(%barrier3A)
    %scan3A = arith.constant 0 : i32
    %scan3A_3 = arith.constant 0 : i32
    %scan3A_4 = arith.constant 33 : i32
    %scan3A_5 = arith.addi %scan3A_3, %scan3A_4 : i32
    %scan3A_6 = arith.constant 1 : i32
    scf.for %scan3A_56 = %scan3A_3 to %scan3A_5 step %scan3A_6  : i32 {
      %gt3A = arith.constant 0 : i32
      %gt3A_57 = arith.cmpi sgt, %scan3A_56, %gt3A : i32
      %convert_element_type3A = arith.extui %gt3A_57 : i1 to i32
      %cond3A = arith.constant 0 : i32
      %cond3A_58 = arith.cmpi ne, %convert_element_type3A, %cond3A : i32
      scf.if %cond3A_58 {
        %dma_wait3A_144 = arith.constant 1 : i32
        %dma_wait3A_145 = arith.constant 0 : i32
        %dma_wait3A_146 = tpu.memref_slice %arg6[%dma_wait3A_144, %dma_wait3A_145] : memref<2x100xi32, #tpu.memory_space<vmem>> -> memref<1x100xi32, #tpu.memory_space<vmem>>
        %dma_wait3A_147 = tpu.memref_squeeze %dma_wait3A_146 : memref<1x100xi32, #tpu.memory_space<vmem>> -> memref<100xi32, #tpu.memory_space<vmem>>
        %dma_wait3A_148 = arith.constant 0 : i32
        %dma_wait3A_149 = arith.constant 0 : i32
        %dma_wait3A_150 = tpu.memref_slice %arg12[%dma_wait3A_148, %dma_wait3A_149] : memref<10240x128xf32, #tpu.memory_space<vmem_shared>> -> memref<10240x128xf32, #tpu.memory_space<vmem_shared>>
        tpu.wait_indirect_dma semaphore(%arg16 : memref<!tpu.dma_semaphore, #tpu.memory_space<semaphore_mem>>) src(%arg9 : memref<100x128xf32, #tpu.memory_space<vmem>>) dst(%dma_wait3A_150 : memref<10240x128xf32, #tpu.memory_space<vmem_shared>>)
      } else {
      }
      %mul3A_59 = arith.constant 3 : i32
      %mul3A_60 = arith.muli %scan3A_56, %mul3A_59 : i32
      %add3A_61 = arith.constant 0 : i32
      %add3A_62 = arith.addi %mul3A_60, %add3A_61 : i32
      "tpu.region"() ({
        %run_scoped3A_144 = tpu.sem_alloc : memref<!tpu.dma_semaphore, #tpu.memory_space<semaphore_mem>>
        %dma_start3A_145 = arith.constant 0 : i32
        %dma_start3A_146 = arith.constant 0 : i32
        %dma_start3A_147 = tpu.memref_slice %arg3[%add3A, %add3A_62, %dma_start3A_145, %dma_start3A_146] : memref<32x100x2x100xi32, #tpu.memory_space<hbm>> -> memref<1x1x2x100xi32, #tpu.memory_space<hbm>>
        %dma_start3A_148 = tpu.memref_squeeze %dma_start3A_147 : memref<1x1x2x100xi32, #tpu.memory_space<hbm>> -> memref<2x100xi32, #tpu.memory_space<hbm>>
        %dma_start3A_149 = arith.constant 0 : i32
        %dma_start3A_150 = arith.constant 0 : i32
        %dma_start3A_151 = tpu.memref_slice %arg3[%add3A, %add3A_62, %dma_start3A_149, %dma_start3A_150] : memref<32x100x2x100xi32, #tpu.memory_space<hbm>> -> memref<1x1x2x100xi32, #tpu.memory_space<hbm>>
        %dma_start3A_152 = tpu.memref_squeeze %dma_start3A_151 : memref<1x1x2x100xi32, #tpu.memory_space<hbm>> -> memref<2x100xi32, #tpu.memory_space<hbm>>
        tpu.enqueue_dma source(%dma_start3A_152 : memref<2x100xi32, #tpu.memory_space<hbm>>) target(%arg6 : memref<2x100xi32, #tpu.memory_space<vmem>>) target_semaphore(%run_scoped3A_144 : memref<!tpu.dma_semaphore, #tpu.memory_space<semaphore_mem>>)
        %dma_wait3A_153 = arith.constant 0 : i32
        %dma_wait3A_154 = arith.constant 0 : i32
        %dma_wait3A_155 = tpu.memref_slice %arg3[%add3A, %add3A_62, %dma_wait3A_153, %dma_wait3A_154] : memref<32x100x2x100xi32, #tpu.memory_space<hbm>> -> memref<1x1x2x100xi32, #tpu.memory_space<hbm>>
        %dma_wait3A_156 = tpu.memref_squeeze %dma_wait3A_155 : memref<1x1x2x100xi32, #tpu.memory_space<hbm>> -> memref<2x100xi32, #tpu.memory_space<hbm>>
        %dma_wait3A_157 = arith.constant 0 : i32
        %dma_wait3A_158 = arith.constant 0 : i32
        %dma_wait3A_159 = tpu.memref_slice %arg3[%add3A, %add3A_62, %dma_wait3A_157, %dma_wait3A_158] : memref<32x100x2x100xi32, #tpu.memory_space<hbm>> -> memref<1x1x2x100xi32, #tpu.memory_space<hbm>>
        %dma_wait3A_160 = tpu.memref_squeeze %dma_wait3A_159 : memref<1x1x2x100xi32, #tpu.memory_space<hbm>> -> memref<2x100xi32, #tpu.memory_space<hbm>>
        tpu.wait_dma2 semaphore(%run_scoped3A_144 : memref<!tpu.dma_semaphore, #tpu.memory_space<semaphore_mem>>) src(%dma_wait3A_160 : memref<2x100xi32, #tpu.memory_space<hbm>>) dst(%arg6 : memref<2x100xi32, #tpu.memory_space<vmem>>)
        tpu.yield
      }) : () -> ()
      %dma_start3A_63 = arith.constant 0 : i32
      %dma_start3A_64 = arith.constant 0 : i32
      %dma_start3A_65 = tpu.memref_slice %arg6[%dma_start3A_63, %dma_start3A_64] : memref<2x100xi32, #tpu.memory_space<vmem>> -> memref<1x100xi32, #tpu.memory_space<vmem>>
      %dma_start3A_66 = tpu.memref_squeeze %dma_start3A_65 : memref<1x100xi32, #tpu.memory_space<vmem>> -> memref<100xi32, #tpu.memory_space<vmem>>
      %dma_start3A_67 = arith.constant 0 : i32
      %dma_start3A_68 = arith.constant 0 : i32
      %dma_start3A_69 = tpu.memref_slice %arg2[%dma_start3A_67, %dma_start3A_68] : memref<10240x128xf32, #tpu.memory_space<hbm>> -> memref<10240x128xf32, #tpu.memory_space<hbm>>
      tpu.enqueue_indirect_dma source(%dma_start3A_69 : memref<10240x128xf32, #tpu.memory_space<hbm>>) target(%arg9 : memref<100x128xf32, #tpu.memory_space<vmem>>) offsets(%dma_start3A_66 : memref<100xi32, #tpu.memory_space<vmem>>) semaphore(%arg13 : memref<!tpu.dma_semaphore, #tpu.memory_space<semaphore_mem>>)
      %gt3A_70 = arith.constant 0 : i32
      %gt3A_71 = arith.cmpi sgt, %scan3A_56, %gt3A_70 : i32
      %convert_element_type3A_72 = arith.extui %gt3A_71 : i1 to i32
      %cond3A_73 = arith.constant 0 : i32
      %cond3A_74 = arith.cmpi ne, %convert_element_type3A_72, %cond3A_73 : i32
      scf.if %cond3A_74 {
        %dma_wait3A_144 = arith.constant 1 : i32
        %dma_wait3A_145 = arith.constant 0 : i32
        %dma_wait3A_146 = tpu.memref_slice %arg7[%dma_wait3A_144, %dma_wait3A_145] : memref<2x100xi32, #tpu.memory_space<vmem>> -> memref<1x100xi32, #tpu.memory_space<vmem>>
        %dma_wait3A_147 = tpu.memref_squeeze %dma_wait3A_146 : memref<1x100xi32, #tpu.memory_space<vmem>> -> memref<100xi32, #tpu.memory_space<vmem>>
        %dma_wait3A_148 = arith.constant 0 : i32
        %dma_wait3A_149 = arith.constant 0 : i32
        %dma_wait3A_150 = tpu.memref_slice %arg12[%dma_wait3A_148, %dma_wait3A_149] : memref<10240x128xf32, #tpu.memory_space<vmem_shared>> -> memref<10240x128xf32, #tpu.memory_space<vmem_shared>>
        tpu.wait_indirect_dma semaphore(%arg17 : memref<!tpu.dma_semaphore, #tpu.memory_space<semaphore_mem>>) src(%arg10 : memref<100x128xf32, #tpu.memory_space<vmem>>) dst(%dma_wait3A_150 : memref<10240x128xf32, #tpu.memory_space<vmem_shared>>)
      } else {
      }
      %mul3A_75 = arith.constant 3 : i32
      %mul3A_76 = arith.muli %scan3A_56, %mul3A_75 : i32
      %add3A_77 = arith.constant 1 : i32
      %add3A_78 = arith.addi %mul3A_76, %add3A_77 : i32
      "tpu.region"() ({
        %run_scoped3A_144 = tpu.sem_alloc : memref<!tpu.dma_semaphore, #tpu.memory_space<semaphore_mem>>
        %dma_start3A_145 = arith.constant 0 : i32
        %dma_start3A_146 = arith.constant 0 : i32
        %dma_start3A_147 = tpu.memref_slice %arg3[%add3A, %add3A_78, %dma_start3A_145, %dma_start3A_146] : memref<32x100x2x100xi32, #tpu.memory_space<hbm>> -> memref<1x1x2x100xi32, #tpu.memory_space<hbm>>
        %dma_start3A_148 = tpu.memref_squeeze %dma_start3A_147 : memref<1x1x2x100xi32, #tpu.memory_space<hbm>> -> memref<2x100xi32, #tpu.memory_space<hbm>>
        %dma_start3A_149 = arith.constant 0 : i32
        %dma_start3A_150 = arith.constant 0 : i32
        %dma_start3A_151 = tpu.memref_slice %arg3[%add3A, %add3A_78, %dma_start3A_149, %dma_start3A_150] : memref<32x100x2x100xi32, #tpu.memory_space<hbm>> -> memref<1x1x2x100xi32, #tpu.memory_space<hbm>>
        %dma_start3A_152 = tpu.memref_squeeze %dma_start3A_151 : memref<1x1x2x100xi32, #tpu.memory_space<hbm>> -> memref<2x100xi32, #tpu.memory_space<hbm>>
        tpu.enqueue_dma source(%dma_start3A_152 : memref<2x100xi32, #tpu.memory_space<hbm>>) target(%arg7 : memref<2x100xi32, #tpu.memory_space<vmem>>) target_semaphore(%run_scoped3A_144 : memref<!tpu.dma_semaphore, #tpu.memory_space<semaphore_mem>>)
        %dma_wait3A_153 = arith.constant 0 : i32
        %dma_wait3A_154 = arith.constant 0 : i32
        %dma_wait3A_155 = tpu.memref_slice %arg3[%add3A, %add3A_78, %dma_wait3A_153, %dma_wait3A_154] : memref<32x100x2x100xi32, #tpu.memory_space<hbm>> -> memref<1x1x2x100xi32, #tpu.memory_space<hbm>>
        %dma_wait3A_156 = tpu.memref_squeeze %dma_wait3A_155 : memref<1x1x2x100xi32, #tpu.memory_space<hbm>> -> memref<2x100xi32, #tpu.memory_space<hbm>>
        %dma_wait3A_157 = arith.constant 0 : i32
        %dma_wait3A_158 = arith.constant 0 : i32
        %dma_wait3A_159 = tpu.memref_slice %arg3[%add3A, %add3A_78, %dma_wait3A_157, %dma_wait3A_158] : memref<32x100x2x100xi32, #tpu.memory_space<hbm>> -> memref<1x1x2x100xi32, #tpu.memory_space<hbm>>
        %dma_wait3A_160 = tpu.memref_squeeze %dma_wait3A_159 : memref<1x1x2x100xi32, #tpu.memory_space<hbm>> -> memref<2x100xi32, #tpu.memory_space<hbm>>
        tpu.wait_dma2 semaphore(%run_scoped3A_144 : memref<!tpu.dma_semaphore, #tpu.memory_space<semaphore_mem>>) src(%dma_wait3A_160 : memref<2x100xi32, #tpu.memory_space<hbm>>) dst(%arg7 : memref<2x100xi32, #tpu.memory_space<vmem>>)
        tpu.yield
      }) : () -> ()
      %dma_start3A_79 = arith.constant 0 : i32
      %dma_start3A_80 = arith.constant 0 : i32
      %dma_start3A_81 = tpu.memref_slice %arg7[%dma_start3A_79, %dma_start3A_80] : memref<2x100xi32, #tpu.memory_space<vmem>> -> memref<1x100xi32, #tpu.memory_space<vmem>>
      %dma_start3A_82 = tpu.memref_squeeze %dma_start3A_81 : memref<1x100xi32, #tpu.memory_space<vmem>> -> memref<100xi32, #tpu.memory_space<vmem>>
      %dma_start3A_83 = arith.constant 0 : i32
      %dma_start3A_84 = arith.constant 0 : i32
      %dma_start3A_85 = tpu.memref_slice %arg2[%dma_start3A_83, %dma_start3A_84] : memref<10240x128xf32, #tpu.memory_space<hbm>> -> memref<10240x128xf32, #tpu.memory_space<hbm>>
      tpu.enqueue_indirect_dma source(%dma_start3A_85 : memref<10240x128xf32, #tpu.memory_space<hbm>>) target(%arg10 : memref<100x128xf32, #tpu.memory_space<vmem>>) offsets(%dma_start3A_82 : memref<100xi32, #tpu.memory_space<vmem>>) semaphore(%arg14 : memref<!tpu.dma_semaphore, #tpu.memory_space<semaphore_mem>>)
      %gt3A_86 = arith.constant 0 : i32
      %gt3A_87 = arith.cmpi sgt, %scan3A_56, %gt3A_86 : i32
      %convert_element_type3A_88 = arith.extui %gt3A_87 : i1 to i32
      %cond3A_89 = arith.constant 0 : i32
      %cond3A_90 = arith.cmpi ne, %convert_element_type3A_88, %cond3A_89 : i32
      scf.if %cond3A_90 {
        %dma_wait3A_144 = arith.constant 1 : i32
        %dma_wait3A_145 = arith.constant 0 : i32
        %dma_wait3A_146 = tpu.memref_slice %arg8[%dma_wait3A_144, %dma_wait3A_145] : memref<2x100xi32, #tpu.memory_space<vmem>> -> memref<1x100xi32, #tpu.memory_space<vmem>>
        %dma_wait3A_147 = tpu.memref_squeeze %dma_wait3A_146 : memref<1x100xi32, #tpu.memory_space<vmem>> -> memref<100xi32, #tpu.memory_space<vmem>>
        %dma_wait3A_148 = arith.constant 0 : i32
        %dma_wait3A_149 = arith.constant 0 : i32
        %dma_wait3A_150 = tpu.memref_slice %arg12[%dma_wait3A_148, %dma_wait3A_149] : memref<10240x128xf32, #tpu.memory_space<vmem_shared>> -> memref<10240x128xf32, #tpu.memory_space<vmem_shared>>
        tpu.wait_indirect_dma semaphore(%arg18 : memref<!tpu.dma_semaphore, #tpu.memory_space<semaphore_mem>>) src(%arg11 : memref<100x128xf32, #tpu.memory_space<vmem>>) dst(%dma_wait3A_150 : memref<10240x128xf32, #tpu.memory_space<vmem_shared>>)
      } else {
      }
      %mul3A_91 = arith.constant 3 : i32
      %mul3A_92 = arith.muli %scan3A_56, %mul3A_91 : i32
      %add3A_93 = arith.constant 2 : i32
      %add3A_94 = arith.addi %mul3A_92, %add3A_93 : i32
      "tpu.region"() ({
        %run_scoped3A_144 = tpu.sem_alloc : memref<!tpu.dma_semaphore, #tpu.memory_space<semaphore_mem>>
        %dma_start3A_145 = arith.constant 0 : i32
        %dma_start3A_146 = arith.constant 0 : i32
        %dma_start3A_147 = tpu.memref_slice %arg3[%add3A, %add3A_94, %dma_start3A_145, %dma_start3A_146] : memref<32x100x2x100xi32, #tpu.memory_space<hbm>> -> memref<1x1x2x100xi32, #tpu.memory_space<hbm>>
        %dma_start3A_148 = tpu.memref_squeeze %dma_start3A_147 : memref<1x1x2x100xi32, #tpu.memory_space<hbm>> -> memref<2x100xi32, #tpu.memory_space<hbm>>
        %dma_start3A_149 = arith.constant 0 : i32
        %dma_start3A_150 = arith.constant 0 : i32
        %dma_start3A_151 = tpu.memref_slice %arg3[%add3A, %add3A_94, %dma_start3A_149, %dma_start3A_150] : memref<32x100x2x100xi32, #tpu.memory_space<hbm>> -> memref<1x1x2x100xi32, #tpu.memory_space<hbm>>
        %dma_start3A_152 = tpu.memref_squeeze %dma_start3A_151 : memref<1x1x2x100xi32, #tpu.memory_space<hbm>> -> memref<2x100xi32, #tpu.memory_space<hbm>>
        tpu.enqueue_dma source(%dma_start3A_152 : memref<2x100xi32, #tpu.memory_space<hbm>>) target(%arg8 : memref<2x100xi32, #tpu.memory_space<vmem>>) target_semaphore(%run_scoped3A_144 : memref<!tpu.dma_semaphore, #tpu.memory_space<semaphore_mem>>)
        %dma_wait3A_153 = arith.constant 0 : i32
        %dma_wait3A_154 = arith.constant 0 : i32
        %dma_wait3A_155 = tpu.memref_slice %arg3[%add3A, %add3A_94, %dma_wait3A_153, %dma_wait3A_154] : memref<32x100x2x100xi32, #tpu.memory_space<hbm>> -> memref<1x1x2x100xi32, #tpu.memory_space<hbm>>
        %dma_wait3A_156 = tpu.memref_squeeze %dma_wait3A_155 : memref<1x1x2x100xi32, #tpu.memory_space<hbm>> -> memref<2x100xi32, #tpu.memory_space<hbm>>
        %dma_wait3A_157 = arith.constant 0 : i32
        %dma_wait3A_158 = arith.constant 0 : i32
        %dma_wait3A_159 = tpu.memref_slice %arg3[%add3A, %add3A_94, %dma_wait3A_157, %dma_wait3A_158] : memref<32x100x2x100xi32, #tpu.memory_space<hbm>> -> memref<1x1x2x100xi32, #tpu.memory_space<hbm>>
        %dma_wait3A_160 = tpu.memref_squeeze %dma_wait3A_159 : memref<1x1x2x100xi32, #tpu.memory_space<hbm>> -> memref<2x100xi32, #tpu.memory_space<hbm>>
        tpu.wait_dma2 semaphore(%run_scoped3A_144 : memref<!tpu.dma_semaphore, #tpu.memory_space<semaphore_mem>>) src(%dma_wait3A_160 : memref<2x100xi32, #tpu.memory_space<hbm>>) dst(%arg8 : memref<2x100xi32, #tpu.memory_space<vmem>>)
        tpu.yield
      }) : () -> ()
      %dma_start3A_95 = arith.constant 0 : i32
      %dma_start3A_96 = arith.constant 0 : i32
      %dma_start3A_97 = tpu.memref_slice %arg8[%dma_start3A_95, %dma_start3A_96] : memref<2x100xi32, #tpu.memory_space<vmem>> -> memref<1x100xi32, #tpu.memory_space<vmem>>
      %dma_start3A_98 = tpu.memref_squeeze %dma_start3A_97 : memref<1x100xi32, #tpu.memory_space<vmem>> -> memref<100xi32, #tpu.memory_space<vmem>>
      %dma_start3A_99 = arith.constant 0 : i32
      %dma_start3A_100 = arith.constant 0 : i32
      %dma_start3A_101 = tpu.memref_slice %arg2[%dma_start3A_99, %dma_start3A_100] : memref<10240x128xf32, #tpu.memory_space<hbm>> -> memref<10240x128xf32, #tpu.memory_space<hbm>>
      tpu.enqueue_indirect_dma source(%dma_start3A_101 : memref<10240x128xf32, #tpu.memory_space<hbm>>) target(%arg11 : memref<100x128xf32, #tpu.memory_space<vmem>>) offsets(%dma_start3A_98 : memref<100xi32, #tpu.memory_space<vmem>>) semaphore(%arg15 : memref<!tpu.dma_semaphore, #tpu.memory_space<semaphore_mem>>)
      %dma_wait3A_102 = arith.constant 0 : i32
      %dma_wait3A_103 = arith.constant 0 : i32
      %dma_wait3A_104 = tpu.memref_slice %arg6[%dma_wait3A_102, %dma_wait3A_103] : memref<2x100xi32, #tpu.memory_space<vmem>> -> memref<1x100xi32, #tpu.memory_space<vmem>>
      %dma_wait3A_105 = tpu.memref_squeeze %dma_wait3A_104 : memref<1x100xi32, #tpu.memory_space<vmem>> -> memref<100xi32, #tpu.memory_space<vmem>>
      %dma_wait3A_106 = arith.constant 0 : i32
      %dma_wait3A_107 = arith.constant 0 : i32
      %dma_wait3A_108 = tpu.memref_slice %arg2[%dma_wait3A_106, %dma_wait3A_107] : memref<10240x128xf32, #tpu.memory_space<hbm>> -> memref<10240x128xf32, #tpu.memory_space<hbm>>
      tpu.wait_indirect_dma semaphore(%arg13 : memref<!tpu.dma_semaphore, #tpu.memory_space<semaphore_mem>>) src(%dma_wait3A_108 : memref<10240x128xf32, #tpu.memory_space<hbm>>) dst(%arg9 : memref<100x128xf32, #tpu.memory_space<vmem>>)
      %dma_start3A_109 = arith.constant 1 : i32
      %dma_start3A_110 = arith.constant 0 : i32
      %dma_start3A_111 = tpu.memref_slice %arg6[%dma_start3A_109, %dma_start3A_110] : memref<2x100xi32, #tpu.memory_space<vmem>> -> memref<1x100xi32, #tpu.memory_space<vmem>>
      %dma_start3A_112 = tpu.memref_squeeze %dma_start3A_111 : memref<1x100xi32, #tpu.memory_space<vmem>> -> memref<100xi32, #tpu.memory_space<vmem>>
      %dma_start3A_113 = arith.constant 0 : i32
      %dma_start3A_114 = arith.constant 0 : i32
      %dma_start3A_115 = tpu.memref_slice %arg12[%dma_start3A_113, %dma_start3A_114] : memref<10240x128xf32, #tpu.memory_space<vmem_shared>> -> memref<10240x128xf32, #tpu.memory_space<vmem_shared>>
      tpu.enqueue_indirect_dma source(%arg9 : memref<100x128xf32, #tpu.memory_space<vmem>>) target(%dma_start3A_115 : memref<10240x128xf32, #tpu.memory_space<vmem_shared>>) offsets(%dma_start3A_112 : memref<100xi32, #tpu.memory_space<vmem>>) semaphore(%arg16 : memref<!tpu.dma_semaphore, #tpu.memory_space<semaphore_mem>>) {add = true}
      %dma_wait3A_116 = arith.constant 0 : i32
      %dma_wait3A_117 = arith.constant 0 : i32
      %dma_wait3A_118 = tpu.memref_slice %arg7[%dma_wait3A_116, %dma_wait3A_117] : memref<2x100xi32, #tpu.memory_space<vmem>> -> memref<1x100xi32, #tpu.memory_space<vmem>>
      %dma_wait3A_119 = tpu.memref_squeeze %dma_wait3A_118 : memref<1x100xi32, #tpu.memory_space<vmem>> -> memref<100xi32, #tpu.memory_space<vmem>>
      %dma_wait3A_120 = arith.constant 0 : i32
      %dma_wait3A_121 = arith.constant 0 : i32
      %dma_wait3A_122 = tpu.memref_slice %arg2[%dma_wait3A_120, %dma_wait3A_121] : memref<10240x128xf32, #tpu.memory_space<hbm>> -> memref<10240x128xf32, #tpu.memory_space<hbm>>
      tpu.wait_indirect_dma semaphore(%arg14 : memref<!tpu.dma_semaphore, #tpu.memory_space<semaphore_mem>>) src(%dma_wait3A_122 : memref<10240x128xf32, #tpu.memory_space<hbm>>) dst(%arg10 : memref<100x128xf32, #tpu.memory_space<vmem>>)
      %dma_start3A_123 = arith.constant 1 : i32
      %dma_start3A_124 = arith.constant 0 : i32
      %dma_start3A_125 = tpu.memref_slice %arg7[%dma_start3A_123, %dma_start3A_124] : memref<2x100xi32, #tpu.memory_space<vmem>> -> memref<1x100xi32, #tpu.memory_space<vmem>>
      %dma_start3A_126 = tpu.memref_squeeze %dma_start3A_125 : memref<1x100xi32, #tpu.memory_space<vmem>> -> memref<100xi32, #tpu.memory_space<vmem>>
      %dma_start3A_127 = arith.constant 0 : i32
      %dma_start3A_128 = arith.constant 0 : i32
      %dma_start3A_129 = tpu.memref_slice %arg12[%dma_start3A_127, %dma_start3A_128] : memref<10240x128xf32, #tpu.memory_space<vmem_shared>> -> memref<10240x128xf32, #tpu.memory_space<vmem_shared>>
      tpu.enqueue_indirect_dma source(%arg10 : memref<100x128xf32, #tpu.memory_space<vmem>>) target(%dma_start3A_129 : memref<10240x128xf32, #tpu.memory_space<vmem_shared>>) offsets(%dma_start3A_126 : memref<100xi32, #tpu.memory_space<vmem>>) semaphore(%arg17 : memref<!tpu.dma_semaphore, #tpu.memory_space<semaphore_mem>>) {add = true}
      %dma_wait3A_130 = arith.constant 0 : i32
      %dma_wait3A_131 = arith.constant 0 : i32
      %dma_wait3A_132 = tpu.memref_slice %arg8[%dma_wait3A_130, %dma_wait3A_131] : memref<2x100xi32, #tpu.memory_space<vmem>> -> memref<1x100xi32, #tpu.memory_space<vmem>>
      %dma_wait3A_133 = tpu.memref_squeeze %dma_wait3A_132 : memref<1x100xi32, #tpu.memory_space<vmem>> -> memref<100xi32, #tpu.memory_space<vmem>>
      %dma_wait3A_134 = arith.constant 0 : i32
      %dma_wait3A_135 = arith.constant 0 : i32
      %dma_wait3A_136 = tpu.memref_slice %arg2[%dma_wait3A_134, %dma_wait3A_135] : memref<10240x128xf32, #tpu.memory_space<hbm>> -> memref<10240x128xf32, #tpu.memory_space<hbm>>
      tpu.wait_indirect_dma semaphore(%arg15 : memref<!tpu.dma_semaphore, #tpu.memory_space<semaphore_mem>>) src(%dma_wait3A_136 : memref<10240x128xf32, #tpu.memory_space<hbm>>) dst(%arg11 : memref<100x128xf32, #tpu.memory_space<vmem>>)
      %dma_start3A_137 = arith.constant 1 : i32
      %dma_start3A_138 = arith.constant 0 : i32
      %dma_start3A_139 = tpu.memref_slice %arg8[%dma_start3A_137, %dma_start3A_138] : memref<2x100xi32, #tpu.memory_space<vmem>> -> memref<1x100xi32, #tpu.memory_space<vmem>>
      %dma_start3A_140 = tpu.memref_squeeze %dma_start3A_139 : memref<1x100xi32, #tpu.memory_space<vmem>> -> memref<100xi32, #tpu.memory_space<vmem>>
      %dma_start3A_141 = arith.constant 0 : i32
      %dma_start3A_142 = arith.constant 0 : i32
      %dma_start3A_143 = tpu.memref_slice %arg12[%dma_start3A_141, %dma_start3A_142] : memref<10240x128xf32, #tpu.memory_space<vmem_shared>> -> memref<10240x128xf32, #tpu.memory_space<vmem_shared>>
      tpu.enqueue_indirect_dma source(%arg11 : memref<100x128xf32, #tpu.memory_space<vmem>>) target(%dma_start3A_143 : memref<10240x128xf32, #tpu.memory_space<vmem_shared>>) offsets(%dma_start3A_140 : memref<100xi32, #tpu.memory_space<vmem>>) semaphore(%arg18 : memref<!tpu.dma_semaphore, #tpu.memory_space<semaphore_mem>>) {add = true}
    }
    %scan3A_7 = arith.constant 33 : i32
    %dma_wait3A = arith.constant 1 : i32
    %dma_wait3A_8 = arith.constant 0 : i32
    %dma_wait3A_9 = tpu.memref_slice %arg6[%dma_wait3A, %dma_wait3A_8] : memref<2x100xi32, #tpu.memory_space<vmem>> -> memref<1x100xi32, #tpu.memory_space<vmem>>
    %dma_wait3A_10 = tpu.memref_squeeze %dma_wait3A_9 : memref<1x100xi32, #tpu.memory_space<vmem>> -> memref<100xi32, #tpu.memory_space<vmem>>
    %dma_wait3A_11 = arith.constant 0 : i32
    %dma_wait3A_12 = arith.constant 0 : i32
    %dma_wait3A_13 = tpu.memref_slice %arg12[%dma_wait3A_11, %dma_wait3A_12] : memref<10240x128xf32, #tpu.memory_space<vmem_shared>> -> memref<10240x128xf32, #tpu.memory_space<vmem_shared>>
    tpu.wait_indirect_dma semaphore(%arg16 : memref<!tpu.dma_semaphore, #tpu.memory_space<semaphore_mem>>) src(%arg9 : memref<100x128xf32, #tpu.memory_space<vmem>>) dst(%dma_wait3A_13 : memref<10240x128xf32, #tpu.memory_space<vmem_shared>>)
    %run_scoped3A = arith.constant 99 : i32
    "tpu.region"() ({
      %run_scoped3A_56 = tpu.sem_alloc : memref<!tpu.dma_semaphore, #tpu.memory_space<semaphore_mem>>
      %dma_start3A_57 = arith.constant 0 : i32
      %dma_start3A_58 = arith.constant 0 : i32
      %dma_start3A_59 = tpu.memref_slice %arg3[%add3A, %run_scoped3A, %dma_start3A_57, %dma_start3A_58] : memref<32x100x2x100xi32, #tpu.memory_space<hbm>> -> memref<1x1x2x100xi32, #tpu.memory_space<hbm>>
      %dma_start3A_60 = tpu.memref_squeeze %dma_start3A_59 : memref<1x1x2x100xi32, #tpu.memory_space<hbm>> -> memref<2x100xi32, #tpu.memory_space<hbm>>
      %dma_start3A_61 = arith.constant 0 : i32
      %dma_start3A_62 = arith.constant 0 : i32
      %dma_start3A_63 = tpu.memref_slice %arg3[%add3A, %run_scoped3A, %dma_start3A_61, %dma_start3A_62] : memref<32x100x2x100xi32, #tpu.memory_space<hbm>> -> memref<1x1x2x100xi32, #tpu.memory_space<hbm>>
      %dma_start3A_64 = tpu.memref_squeeze %dma_start3A_63 : memref<1x1x2x100xi32, #tpu.memory_space<hbm>> -> memref<2x100xi32, #tpu.memory_space<hbm>>
      tpu.enqueue_dma source(%dma_start3A_64 : memref<2x100xi32, #tpu.memory_space<hbm>>) target(%arg6 : memref<2x100xi32, #tpu.memory_space<vmem>>) target_semaphore(%run_scoped3A_56 : memref<!tpu.dma_semaphore, #tpu.memory_space<semaphore_mem>>)
      %dma_wait3A_65 = arith.constant 0 : i32
      %dma_wait3A_66 = arith.constant 0 : i32
      %dma_wait3A_67 = tpu.memref_slice %arg3[%add3A, %run_scoped3A, %dma_wait3A_65, %dma_wait3A_66] : memref<32x100x2x100xi32, #tpu.memory_space<hbm>> -> memref<1x1x2x100xi32, #tpu.memory_space<hbm>>
      %dma_wait3A_68 = tpu.memref_squeeze %dma_wait3A_67 : memref<1x1x2x100xi32, #tpu.memory_space<hbm>> -> memref<2x100xi32, #tpu.memory_space<hbm>>
      %dma_wait3A_69 = arith.constant 0 : i32
      %dma_wait3A_70 = arith.constant 0 : i32
      %dma_wait3A_71 = tpu.memref_slice %arg3[%add3A, %run_scoped3A, %dma_wait3A_69, %dma_wait3A_70] : memref<32x100x2x100xi32, #tpu.memory_space<hbm>> -> memref<1x1x2x100xi32, #tpu.memory_space<hbm>>
      %dma_wait3A_72 = tpu.memref_squeeze %dma_wait3A_71 : memref<1x1x2x100xi32, #tpu.memory_space<hbm>> -> memref<2x100xi32, #tpu.memory_space<hbm>>
      tpu.wait_dma2 semaphore(%run_scoped3A_56 : memref<!tpu.dma_semaphore, #tpu.memory_space<semaphore_mem>>) src(%dma_wait3A_72 : memref<2x100xi32, #tpu.memory_space<hbm>>) dst(%arg6 : memref<2x100xi32, #tpu.memory_space<vmem>>)
      tpu.yield
    }) : () -> ()
    %dma_start3A = arith.constant 0 : i32
    %dma_start3A_14 = arith.constant 0 : i32
    %dma_start3A_15 = tpu.memref_slice %arg6[%dma_start3A, %dma_start3A_14] : memref<2x100xi32, #tpu.memory_space<vmem>> -> memref<1x100xi32, #tpu.memory_space<vmem>>
    %dma_start3A_16 = tpu.memref_squeeze %dma_start3A_15 : memref<1x100xi32, #tpu.memory_space<vmem>> -> memref<100xi32, #tpu.memory_space<vmem>>
    %dma_start3A_17 = arith.constant 0 : i32
    %dma_start3A_18 = arith.constant 0 : i32
    %dma_start3A_19 = tpu.memref_slice %arg2[%dma_start3A_17, %dma_start3A_18] : memref<10240x128xf32, #tpu.memory_space<hbm>> -> memref<10240x128xf32, #tpu.memory_space<hbm>>
    tpu.enqueue_indirect_dma source(%dma_start3A_19 : memref<10240x128xf32, #tpu.memory_space<hbm>>) target(%arg9 : memref<100x128xf32, #tpu.memory_space<vmem>>) offsets(%dma_start3A_16 : memref<100xi32, #tpu.memory_space<vmem>>) semaphore(%arg13 : memref<!tpu.dma_semaphore, #tpu.memory_space<semaphore_mem>>)
    %dma_wait3A_20 = arith.constant 0 : i32
    %dma_wait3A_21 = arith.constant 0 : i32
    %dma_wait3A_22 = tpu.memref_slice %arg6[%dma_wait3A_20, %dma_wait3A_21] : memref<2x100xi32, #tpu.memory_space<vmem>> -> memref<1x100xi32, #tpu.memory_space<vmem>>
    %dma_wait3A_23 = tpu.memref_squeeze %dma_wait3A_22 : memref<1x100xi32, #tpu.memory_space<vmem>> -> memref<100xi32, #tpu.memory_space<vmem>>
    %dma_wait3A_24 = arith.constant 0 : i32
    %dma_wait3A_25 = arith.constant 0 : i32
    %dma_wait3A_26 = tpu.memref_slice %arg2[%dma_wait3A_24, %dma_wait3A_25] : memref<10240x128xf32, #tpu.memory_space<hbm>> -> memref<10240x128xf32, #tpu.memory_space<hbm>>
    tpu.wait_indirect_dma semaphore(%arg13 : memref<!tpu.dma_semaphore, #tpu.memory_space<semaphore_mem>>) src(%dma_wait3A_26 : memref<10240x128xf32, #tpu.memory_space<hbm>>) dst(%arg9 : memref<100x128xf32, #tpu.memory_space<vmem>>)
    %dma_start3A_27 = arith.constant 1 : i32
    %dma_start3A_28 = arith.constant 0 : i32
    %dma_start3A_29 = tpu.memref_slice %arg6[%dma_start3A_27, %dma_start3A_28] : memref<2x100xi32, #tpu.memory_space<vmem>> -> memref<1x100xi32, #tpu.memory_space<vmem>>
    %dma_start3A_30 = tpu.memref_squeeze %dma_start3A_29 : memref<1x100xi32, #tpu.memory_space<vmem>> -> memref<100xi32, #tpu.memory_space<vmem>>
    %dma_start3A_31 = arith.constant 0 : i32
    %dma_start3A_32 = arith.constant 0 : i32
    %dma_start3A_33 = tpu.memref_slice %arg12[%dma_start3A_31, %dma_start3A_32] : memref<10240x128xf32, #tpu.memory_space<vmem_shared>> -> memref<10240x128xf32, #tpu.memory_space<vmem_shared>>
    tpu.enqueue_indirect_dma source(%arg9 : memref<100x128xf32, #tpu.memory_space<vmem>>) target(%dma_start3A_33 : memref<10240x128xf32, #tpu.memory_space<vmem_shared>>) offsets(%dma_start3A_30 : memref<100xi32, #tpu.memory_space<vmem>>) semaphore(%arg16 : memref<!tpu.dma_semaphore, #tpu.memory_space<semaphore_mem>>) {add = true}
    %dma_wait3A_34 = arith.constant 1 : i32
    %dma_wait3A_35 = arith.constant 0 : i32
    %dma_wait3A_36 = tpu.memref_slice %arg7[%dma_wait3A_34, %dma_wait3A_35] : memref<2x100xi32, #tpu.memory_space<vmem>> -> memref<1x100xi32, #tpu.memory_space<vmem>>
    %dma_wait3A_37 = tpu.memref_squeeze %dma_wait3A_36 : memref<1x100xi32, #tpu.memory_space<vmem>> -> memref<100xi32, #tpu.memory_space<vmem>>
    %dma_wait3A_38 = arith.constant 0 : i32
    %dma_wait3A_39 = arith.constant 0 : i32
    %dma_wait3A_40 = tpu.memref_slice %arg12[%dma_wait3A_38, %dma_wait3A_39] : memref<10240x128xf32, #tpu.memory_space<vmem_shared>> -> memref<10240x128xf32, #tpu.memory_space<vmem_shared>>
    tpu.wait_indirect_dma semaphore(%arg17 : memref<!tpu.dma_semaphore, #tpu.memory_space<semaphore_mem>>) src(%arg10 : memref<100x128xf32, #tpu.memory_space<vmem>>) dst(%dma_wait3A_40 : memref<10240x128xf32, #tpu.memory_space<vmem_shared>>)
    %dma_wait3A_41 = arith.constant 1 : i32
    %dma_wait3A_42 = arith.constant 0 : i32
    %dma_wait3A_43 = tpu.memref_slice %arg8[%dma_wait3A_41, %dma_wait3A_42] : memref<2x100xi32, #tpu.memory_space<vmem>> -> memref<1x100xi32, #tpu.memory_space<vmem>>
    %dma_wait3A_44 = tpu.memref_squeeze %dma_wait3A_43 : memref<1x100xi32, #tpu.memory_space<vmem>> -> memref<100xi32, #tpu.memory_space<vmem>>
    %dma_wait3A_45 = arith.constant 0 : i32
    %dma_wait3A_46 = arith.constant 0 : i32
    %dma_wait3A_47 = tpu.memref_slice %arg12[%dma_wait3A_45, %dma_wait3A_46] : memref<10240x128xf32, #tpu.memory_space<vmem_shared>> -> memref<10240x128xf32, #tpu.memory_space<vmem_shared>>
    tpu.wait_indirect_dma semaphore(%arg18 : memref<!tpu.dma_semaphore, #tpu.memory_space<semaphore_mem>>) src(%arg11 : memref<100x128xf32, #tpu.memory_space<vmem>>) dst(%dma_wait3A_47 : memref<10240x128xf32, #tpu.memory_space<vmem_shared>>)
    %dma_wait3A_48 = arith.constant 1 : i32
    %dma_wait3A_49 = arith.constant 0 : i32
    %dma_wait3A_50 = tpu.memref_slice %arg6[%dma_wait3A_48, %dma_wait3A_49] : memref<2x100xi32, #tpu.memory_space<vmem>> -> memref<1x100xi32, #tpu.memory_space<vmem>>
    %dma_wait3A_51 = tpu.memref_squeeze %dma_wait3A_50 : memref<1x100xi32, #tpu.memory_space<vmem>> -> memref<100xi32, #tpu.memory_space<vmem>>
    %dma_wait3A_52 = arith.constant 0 : i32
    %dma_wait3A_53 = arith.constant 0 : i32
    %dma_wait3A_54 = tpu.memref_slice %arg12[%dma_wait3A_52, %dma_wait3A_53] : memref<10240x128xf32, #tpu.memory_space<vmem_shared>> -> memref<10240x128xf32, #tpu.memory_space<vmem_shared>>
    tpu.wait_indirect_dma semaphore(%arg16 : memref<!tpu.dma_semaphore, #tpu.memory_space<semaphore_mem>>) src(%arg9 : memref<100x128xf32, #tpu.memory_space<vmem>>) dst(%dma_wait3A_54 : memref<10240x128xf32, #tpu.memory_space<vmem_shared>>)
    %barrier3A_55 = arith.constant 0 : index
    tpu.barrier barrier_id(%barrier3A_55)
    "tpu.region"() ({
      %run_scoped3A_56 = tpu.sem_alloc : memref<!tpu.dma_semaphore, #tpu.memory_space<semaphore_mem>>
      %dma_start3A_57 = arith.constant 0 : i32
      %dma_start3A_58 = tpu.memref_slice %arg5[%arg0, %mul3A_2, %dma_start3A_57] : memref<2x10240x128xf32, #tpu.memory_space<hbm>> -> memref<1x640x128xf32, #tpu.memory_space<hbm>>
      %dma_start3A_59 = tpu.memref_squeeze %dma_start3A_58 : memref<1x640x128xf32, #tpu.memory_space<hbm>> -> memref<640x128xf32, #tpu.memory_space<hbm>>
      %dma_start3A_60 = arith.constant 0 : i32
      %dma_start3A_61 = tpu.memref_slice %arg12[%mul3A_2, %dma_start3A_60] : memref<10240x128xf32, #tpu.memory_space<vmem_shared>> -> memref<640x128xf32, #tpu.memory_space<vmem_shared>>
      tpu.enqueue_dma source(%dma_start3A_61 : memref<640x128xf32, #tpu.memory_space<vmem_shared>>) target(%dma_start3A_59 : memref<640x128xf32, #tpu.memory_space<hbm>>) target_semaphore(%run_scoped3A_56 : memref<!tpu.dma_semaphore, #tpu.memory_space<semaphore_mem>>)
      %dma_wait3A_62 = arith.constant 0 : i32
      %dma_wait3A_63 = tpu.memref_slice %arg5[%arg0, %mul3A_2, %dma_wait3A_62] : memref<2x10240x128xf32, #tpu.memory_space<hbm>> -> memref<1x640x128xf32, #tpu.memory_space<hbm>>
      %dma_wait3A_64 = tpu.memref_squeeze %dma_wait3A_63 : memref<1x640x128xf32, #tpu.memory_space<hbm>> -> memref<640x128xf32, #tpu.memory_space<hbm>>
      %dma_wait3A_65 = arith.constant 0 : i32
      %dma_wait3A_66 = tpu.memref_slice %arg12[%mul3A_2, %dma_wait3A_65] : memref<10240x128xf32, #tpu.memory_space<vmem_shared>> -> memref<640x128xf32, #tpu.memory_space<vmem_shared>>
      tpu.wait_dma2 semaphore(%run_scoped3A_56 : memref<!tpu.dma_semaphore, #tpu.memory_space<semaphore_mem>>) src(%dma_wait3A_66 : memref<640x128xf32, #tpu.memory_space<vmem_shared>>) dst(%dma_wait3A_64 : memref<640x128xf32, #tpu.memory_space<hbm>>)
      tpu.yield
    }) : () -> ()
    return
  }
}

#map = affine_map<(d0, d1) -> (0, 0)>
#map1 = affine_map<(d0, d1) -> (0, 0, 0, 0)>
#map2 = affine_map<(d0, d1) -> (0, 0, 0)>
module attributes {stable_mosaic.version = 14 : i64} {
  func.func @body(%arg0: i32, %arg1: i32, %arg2: memref<10240x128xf32, #tpu.memory_space<hbm>>, %arg3: memref<32x100x2x100xi32, #tpu.memory_space<hbm>>, %arg4: memref<10240x128xf32, #tpu.memory_space<hbm>>, %arg5: memref<2x10240x128xf32, #tpu.memory_space<hbm>>, %arg6: memref<2x100xi32, #tpu.memory_space<vmem>>, %arg7: memref<2x100xi32, #tpu.memory_space<vmem>>, %arg8: memref<2x100xi32, #tpu.memory_space<vmem>>, %arg9: memref<100x128xf32, #tpu.memory_space<vmem>>, %arg10: memref<100x128xf32, #tpu.memory_space<vmem>>, %arg11: memref<100x128xf32, #tpu.memory_space<vmem>>, %arg12: memref<10240x128xf32, #tpu.memory_space<vmem_shared>>, %arg13: memref<!tpu.dma_semaphore, #tpu.memory_space<semaphore_mem>>, %arg14: memref<!tpu.dma_semaphore, #tpu.memory_space<semaphore_mem>>, %arg15: memref<!tpu.dma_semaphore, #tpu.memory_space<semaphore_mem>>, %arg16: memref<!tpu.dma_semaphore, #tpu.memory_space<semaphore_mem>>, %arg17: memref<!tpu.dma_semaphore, #tpu.memory_space<semaphore_mem>>, %arg18: memref<!tpu.dma_semaphore, #tpu.memory_space<semaphore_mem>>) attributes {dimension_semantics = [#tpu.dimension_semantics<core_parallel>, #tpu.dimension_semantics<subcore_parallel>], iteration_bounds = array<i64: 2, 16>, scalar_prefetch = 0 : i64, scratch_operands = 13 : i64, tpu.core_type = #tpu.core_type<sc_vector_subcore>, window_params = [{transform_indices = #map}, {transform_indices = #map1}, {transform_indices = #map}, {transform_indices = #map2}]} {
    %mul3A = arith.constant 2 : i32
    %mul3A_0 = arith.muli %arg1, %mul3A : i32
    %add3A = arith.addi %mul3A_0, %arg0 : i32
    %mul3A_1 = arith.constant 640 : i32
    %mul3A_2 = arith.muli %arg1, %mul3A_1 : i32
    "tpu.region"() ({
      %run_scoped3A_56 = tpu.sem_alloc : memref<!tpu.dma_semaphore, #tpu.memory_space<semaphore_mem>>
      %dma_start3A_57 = arith.constant 0 : i32
      %dma_start3A_58 = tpu.memref_slice %arg12[%mul3A_2, %dma_start3A_57] : memref<10240x128xf32, #tpu.memory_space<vmem_shared>> -> memref<640x128xf32, #tpu.memory_space<vmem_shared>>
      %dma_start3A_59 = arith.constant 0 : i32
      %dma_start3A_60 = tpu.memref_slice %arg4[%mul3A_2, %dma_start3A_59] : memref<10240x128xf32, #tpu.memory_space<hbm>> -> memref<640x128xf32, #tpu.memory_space<hbm>>
      tpu.enqueue_dma source(%dma_start3A_60 : memref<640x128xf32, #tpu.memory_space<hbm>>) target(%dma_start3A_58 : memref<640x128xf32, #tpu.memory_space<vmem_shared>>) target_semaphore(%run_scoped3A_56 : memref<!tpu.dma_semaphore, #tpu.memory_space<semaphore_mem>>)
      %dma_wait3A_61 = arith.constant 0 : i32
      %dma_wait3A_62 = tpu.memref_slice %arg12[%mul3A_2, %dma_wait3A_61] : memref<10240x128xf32, #tpu.memory_space<vmem_shared>> -> memref<640x128xf32, #tpu.memory_space<vmem_shared>>
      %dma_wait3A_63 = arith.constant 0 : i32
      %dma_wait3A_64 = tpu.memref_slice %arg4[%mul3A_2, %dma_wait3A_63] : memref<10240x128xf32, #tpu.memory_space<hbm>> -> memref<640x128xf32, #tpu.memory_space<hbm>>
      tpu.wait_dma2 semaphore(%run_scoped3A_56 : memref<!tpu.dma_semaphore, #tpu.memory_space<semaphore_mem>>) src(%dma_wait3A_64 : memref<640x128xf32, #tpu.memory_space<hbm>>) dst(%dma_wait3A_62 : memref<640x128xf32, #tpu.memory_space<vmem_shared>>)
      tpu.yield
    }) : () -> ()
    %barrier3A = arith.constant 0 : index
    tpu.barrier barrier_id(%barrier3A)
    %scan3A = arith.constant 0 : i32
    %scan3A_3 = arith.constant 0 : i32
    %scan3A_4 = arith.constant 33 : i32
    %scan3A_5 = arith.addi %scan3A_3, %scan3A_4 : i32
    %scan3A_6 = arith.constant 1 : i32
    scf.for %scan3A_56 = %scan3A_3 to %scan3A_5 step %scan3A_6  : i32 {
      %gt3A = arith.constant 0 : i32
      %gt3A_57 = arith.cmpi sgt, %scan3A_56, %gt3A : i32
      %convert_element_type3A = arith.extui %gt3A_57 : i1 to i32
      %cond3A = arith.constant 0 : i32
      %cond3A_58 = arith.cmpi ne, %convert_element_type3A, %cond3A : i32
      scf.if %cond3A_58 {
        %dma_wait3A_144 = arith.constant 1 : i32
        %dma_wait3A_145 = arith.constant 0 : i32
        %dma_wait3A_146 = tpu.memref_slice %arg6[%dma_wait3A_144, %dma_wait3A_145] : memref<2x100xi32, #tpu.memory_space<vmem>> -> memref<1x100xi32, #tpu.memory_space<vmem>>
        %dma_wait3A_147 = tpu.memref_squeeze %dma_wait3A_146 : memref<1x100xi32, #tpu.memory_space<vmem>> -> memref<100xi32, #tpu.memory_space<vmem>>
        %dma_wait3A_148 = arith.constant 0 : i32
        %dma_wait3A_149 = arith.constant 0 : i32
        %dma_wait3A_150 = tpu.memref_slice %arg12[%dma_wait3A_148, %dma_wait3A_149] : memref<10240x128xf32, #tpu.memory_space<vmem_shared>> -> memref<10240x128xf32, #tpu.memory_space<vmem_shared>>
        tpu.wait_indirect_dma semaphore(%arg16 : memref<!tpu.dma_semaphore, #tpu.memory_space<semaphore_mem>>) src(%arg9 : memref<100x128xf32, #tpu.memory_space<vmem>>) dst(%dma_wait3A_150 : memref<10240x128xf32, #tpu.memory_space<vmem_shared>>)
      } else {
      }
      %mul3A_59 = arith.constant 3 : i32
      %mul3A_60 = arith.muli %scan3A_56, %mul3A_59 : i32
      %add3A_61 = arith.constant 0 : i32
      %add3A_62 = arith.addi %mul3A_60, %add3A_61 : i32
      "tpu.region"() ({
        %run_scoped3A_144 = tpu.sem_alloc : memref<!tpu.dma_semaphore, #tpu.memory_space<semaphore_mem>>
        %dma_start3A_145 = arith.constant 0 : i32
        %dma_start3A_146 = arith.constant 0 : i32
        %dma_start3A_147 = tpu.memref_slice %arg3[%add3A, %add3A_62, %dma_start3A_145, %dma_start3A_146] : memref<32x100x2x100xi32, #tpu.memory_space<hbm>> -> memref<1x1x2x100xi32, #tpu.memory_space<hbm>>
        %dma_start3A_148 = tpu.memref_squeeze %dma_start3A_147 : memref<1x1x2x100xi32, #tpu.memory_space<hbm>> -> memref<2x100xi32, #tpu.memory_space<hbm>>
        %dma_start3A_149 = arith.constant 0 : i32
        %dma_start3A_150 = arith.constant 0 : i32
        %dma_start3A_151 = tpu.memref_slice %arg3[%add3A, %add3A_62, %dma_start3A_149, %dma_start3A_150] : memref<32x100x2x100xi32, #tpu.memory_space<hbm>> -> memref<1x1x2x100xi32, #tpu.memory_space<hbm>>
        %dma_start3A_152 = tpu.memref_squeeze %dma_start3A_151 : memref<1x1x2x100xi32, #tpu.memory_space<hbm>> -> memref<2x100xi32, #tpu.memory_space<hbm>>
        tpu.enqueue_dma source(%dma_start3A_152 : memref<2x100xi32, #tpu.memory_space<hbm>>) target(%arg6 : memref<2x100xi32, #tpu.memory_space<vmem>>) target_semaphore(%run_scoped3A_144 : memref<!tpu.dma_semaphore, #tpu.memory_space<semaphore_mem>>)
        %dma_wait3A_153 = arith.constant 0 : i32
        %dma_wait3A_154 = arith.constant 0 : i32
        %dma_wait3A_155 = tpu.memref_slice %arg3[%add3A, %add3A_62, %dma_wait3A_153, %dma_wait3A_154] : memref<32x100x2x100xi32, #tpu.memory_space<hbm>> -> memref<1x1x2x100xi32, #tpu.memory_space<hbm>>
        %dma_wait3A_156 = tpu.memref_squeeze %dma_wait3A_155 : memref<1x1x2x100xi32, #tpu.memory_space<hbm>> -> memref<2x100xi32, #tpu.memory_space<hbm>>
        %dma_wait3A_157 = arith.constant 0 : i32
        %dma_wait3A_158 = arith.constant 0 : i32
        %dma_wait3A_159 = tpu.memref_slice %arg3[%add3A, %add3A_62, %dma_wait3A_157, %dma_wait3A_158] : memref<32x100x2x100xi32, #tpu.memory_space<hbm>> -> memref<1x1x2x100xi32, #tpu.memory_space<hbm>>
        %dma_wait3A_160 = tpu.memref_squeeze %dma_wait3A_159 : memref<1x1x2x100xi32, #tpu.memory_space<hbm>> -> memref<2x100xi32, #tpu.memory_space<hbm>>
        tpu.wait_dma2 semaphore(%run_scoped3A_144 : memref<!tpu.dma_semaphore, #tpu.memory_space<semaphore_mem>>) src(%dma_wait3A_160 : memref<2x100xi32, #tpu.memory_space<hbm>>) dst(%arg6 : memref<2x100xi32, #tpu.memory_space<vmem>>)
        tpu.yield
      }) : () -> ()
      %dma_start3A_63 = arith.constant 0 : i32
      %dma_start3A_64 = arith.constant 0 : i32
      %dma_start3A_65 = tpu.memref_slice %arg6[%dma_start3A_63, %dma_start3A_64] : memref<2x100xi32, #tpu.memory_space<vmem>> -> memref<1x100xi32, #tpu.memory_space<vmem>>
      %dma_start3A_66 = tpu.memref_squeeze %dma_start3A_65 : memref<1x100xi32, #tpu.memory_space<vmem>> -> memref<100xi32, #tpu.memory_space<vmem>>
      %dma_start3A_67 = arith.constant 0 : i32
      %dma_start3A_68 = arith.constant 0 : i32
      %dma_start3A_69 = tpu.memref_slice %arg2[%dma_start3A_67, %dma_start3A_68] : memref<10240x128xf32, #tpu.memory_space<hbm>> -> memref<10240x128xf32, #tpu.memory_space<hbm>>
      tpu.enqueue_indirect_dma source(%dma_start3A_69 : memref<10240x128xf32, #tpu.memory_space<hbm>>) target(%arg9 : memref<100x128xf32, #tpu.memory_space<vmem>>) offsets(%dma_start3A_66 : memref<100xi32, #tpu.memory_space<vmem>>) semaphore(%arg13 : memref<!tpu.dma_semaphore, #tpu.memory_space<semaphore_mem>>)
      %gt3A_70 = arith.constant 0 : i32
      %gt3A_71 = arith.cmpi sgt, %scan3A_56, %gt3A_70 : i32
      %convert_element_type3A_72 = arith.extui %gt3A_71 : i1 to i32
      %cond3A_73 = arith.constant 0 : i32
      %cond3A_74 = arith.cmpi ne, %convert_element_type3A_72, %cond3A_73 : i32
      scf.if %cond3A_74 {
        %dma_wait3A_144 = arith.constant 1 : i32
        %dma_wait3A_145 = arith.constant 0 : i32
        %dma_wait3A_146 = tpu.memref_slice %arg7[%dma_wait3A_144, %dma_wait3A_145] : memref<2x100xi32, #tpu.memory_space<vmem>> -> memref<1x100xi32, #tpu.memory_space<vmem>>
        %dma_wait3A_147 = tpu.memref_squeeze %dma_wait3A_146 : memref<1x100xi32, #tpu.memory_space<vmem>> -> memref<100xi32, #tpu.memory_space<vmem>>
        %dma_wait3A_148 = arith.constant 0 : i32
        %dma_wait3A_149 = arith.constant 0 : i32
        %dma_wait3A_150 = tpu.memref_slice %arg12[%dma_wait3A_148, %dma_wait3A_149] : memref<10240x128xf32, #tpu.memory_space<vmem_shared>> -> memref<10240x128xf32, #tpu.memory_space<vmem_shared>>
        tpu.wait_indirect_dma semaphore(%arg17 : memref<!tpu.dma_semaphore, #tpu.memory_space<semaphore_mem>>) src(%arg10 : memref<100x128xf32, #tpu.memory_space<vmem>>) dst(%dma_wait3A_150 : memref<10240x128xf32, #tpu.memory_space<vmem_shared>>)
      } else {
      }
      %mul3A_75 = arith.constant 3 : i32
      %mul3A_76 = arith.muli %scan3A_56, %mul3A_75 : i32
      %add3A_77 = arith.constant 1 : i32
      %add3A_78 = arith.addi %mul3A_76, %add3A_77 : i32
      "tpu.region"() ({
        %run_scoped3A_144 = tpu.sem_alloc : memref<!tpu.dma_semaphore, #tpu.memory_space<semaphore_mem>>
        %dma_start3A_145 = arith.constant 0 : i32
        %dma_start3A_146 = arith.constant 0 : i32
        %dma_start3A_147 = tpu.memref_slice %arg3[%add3A, %add3A_78, %dma_start3A_145, %dma_start3A_146] : memref<32x100x2x100xi32, #tpu.memory_space<hbm>> -> memref<1x1x2x100xi32, #tpu.memory_space<hbm>>
        %dma_start3A_148 = tpu.memref_squeeze %dma_start3A_147 : memref<1x1x2x100xi32, #tpu.memory_space<hbm>> -> memref<2x100xi32, #tpu.memory_space<hbm>>
        %dma_start3A_149 = arith.constant 0 : i32
        %dma_start3A_150 = arith.constant 0 : i32
        %dma_start3A_151 = tpu.memref_slice %arg3[%add3A, %add3A_78, %dma_start3A_149, %dma_start3A_150] : memref<32x100x2x100xi32, #tpu.memory_space<hbm>> -> memref<1x1x2x100xi32, #tpu.memory_space<hbm>>
        %dma_start3A_152 = tpu.memref_squeeze %dma_start3A_151 : memref<1x1x2x100xi32, #tpu.memory_space<hbm>> -> memref<2x100xi32, #tpu.memory_space<hbm>>
        tpu.enqueue_dma source(%dma_start3A_152 : memref<2x100xi32, #tpu.memory_space<hbm>>) target(%arg7 : memref<2x100xi32, #tpu.memory_space<vmem>>) target_semaphore(%run_scoped3A_144 : memref<!tpu.dma_semaphore, #tpu.memory_space<semaphore_mem>>)
        %dma_wait3A_153 = arith.constant 0 : i32
        %dma_wait3A_154 = arith.constant 0 : i32
        %dma_wait3A_155 = tpu.memref_slice %arg3[%add3A, %add3A_78, %dma_wait3A_153, %dma_wait3A_154] : memref<32x100x2x100xi32, #tpu.memory_space<hbm>> -> memref<1x1x2x100xi32, #tpu.memory_space<hbm>>
        %dma_wait3A_156 = tpu.memref_squeeze %dma_wait3A_155 : memref<1x1x2x100xi32, #tpu.memory_space<hbm>> -> memref<2x100xi32, #tpu.memory_space<hbm>>
        %dma_wait3A_157 = arith.constant 0 : i32
        %dma_wait3A_158 = arith.constant 0 : i32
        %dma_wait3A_159 = tpu.memref_slice %arg3[%add3A, %add3A_78, %dma_wait3A_157, %dma_wait3A_158] : memref<32x100x2x100xi32, #tpu.memory_space<hbm>> -> memref<1x1x2x100xi32, #tpu.memory_space<hbm>>
        %dma_wait3A_160 = tpu.memref_squeeze %dma_wait3A_159 : memref<1x1x2x100xi32, #tpu.memory_space<hbm>> -> memref<2x100xi32, #tpu.memory_space<hbm>>
        tpu.wait_dma2 semaphore(%run_scoped3A_144 : memref<!tpu.dma_semaphore, #tpu.memory_space<semaphore_mem>>) src(%dma_wait3A_160 : memref<2x100xi32, #tpu.memory_space<hbm>>) dst(%arg7 : memref<2x100xi32, #tpu.memory_space<vmem>>)
        tpu.yield
      }) : () -> ()
      %dma_start3A_79 = arith.constant 0 : i32
      %dma_start3A_80 = arith.constant 0 : i32
      %dma_start3A_81 = tpu.memref_slice %arg7[%dma_start3A_79, %dma_start3A_80] : memref<2x100xi32, #tpu.memory_space<vmem>> -> memref<1x100xi32, #tpu.memory_space<vmem>>
      %dma_start3A_82 = tpu.memref_squeeze %dma_start3A_81 : memref<1x100xi32, #tpu.memory_space<vmem>> -> memref<100xi32, #tpu.memory_space<vmem>>
      %dma_start3A_83 = arith.constant 0 : i32
      %dma_start3A_84 = arith.constant 0 : i32
      %dma_start3A_85 = tpu.memref_slice %arg2[%dma_start3A_83, %dma_start3A_84] : memref<10240x128xf32, #tpu.memory_space<hbm>> -> memref<10240x128xf32, #tpu.memory_space<hbm>>
      tpu.enqueue_indirect_dma source(%dma_start3A_85 : memref<10240x128xf32, #tpu.memory_space<hbm>>) target(%arg10 : memref<100x128xf32, #tpu.memory_space<vmem>>) offsets(%dma_start3A_82 : memref<100xi32, #tpu.memory_space<vmem>>) semaphore(%arg14 : memref<!tpu.dma_semaphore, #tpu.memory_space<semaphore_mem>>)
      %gt3A_86 = arith.constant 0 : i32
      %gt3A_87 = arith.cmpi sgt, %scan3A_56, %gt3A_86 : i32
      %convert_element_type3A_88 = arith.extui %gt3A_87 : i1 to i32
      %cond3A_89 = arith.constant 0 : i32
      %cond3A_90 = arith.cmpi ne, %convert_element_type3A_88, %cond3A_89 : i32
      scf.if %cond3A_90 {
        %dma_wait3A_144 = arith.constant 1 : i32
        %dma_wait3A_145 = arith.constant 0 : i32
        %dma_wait3A_146 = tpu.memref_slice %arg8[%dma_wait3A_144, %dma_wait3A_145] : memref<2x100xi32, #tpu.memory_space<vmem>> -> memref<1x100xi32, #tpu.memory_space<vmem>>
        %dma_wait3A_147 = tpu.memref_squeeze %dma_wait3A_146 : memref<1x100xi32, #tpu.memory_space<vmem>> -> memref<100xi32, #tpu.memory_space<vmem>>
        %dma_wait3A_148 = arith.constant 0 : i32
        %dma_wait3A_149 = arith.constant 0 : i32
        %dma_wait3A_150 = tpu.memref_slice %arg12[%dma_wait3A_148, %dma_wait3A_149] : memref<10240x128xf32, #tpu.memory_space<vmem_shared>> -> memref<10240x128xf32, #tpu.memory_space<vmem_shared>>
        tpu.wait_indirect_dma semaphore(%arg18 : memref<!tpu.dma_semaphore, #tpu.memory_space<semaphore_mem>>) src(%arg11 : memref<100x128xf32, #tpu.memory_space<vmem>>) dst(%dma_wait3A_150 : memref<10240x128xf32, #tpu.memory_space<vmem_shared>>)
      } else {
      }
      %mul3A_91 = arith.constant 3 : i32
      %mul3A_92 = arith.muli %scan3A_56, %mul3A_91 : i32
      %add3A_93 = arith.constant 2 : i32
      %add3A_94 = arith.addi %mul3A_92, %add3A_93 : i32
      "tpu.region"() ({
        %run_scoped3A_144 = tpu.sem_alloc : memref<!tpu.dma_semaphore, #tpu.memory_space<semaphore_mem>>
        %dma_start3A_145 = arith.constant 0 : i32
        %dma_start3A_146 = arith.constant 0 : i32
        %dma_start3A_147 = tpu.memref_slice %arg3[%add3A, %add3A_94, %dma_start3A_145, %dma_start3A_146] : memref<32x100x2x100xi32, #tpu.memory_space<hbm>> -> memref<1x1x2x100xi32, #tpu.memory_space<hbm>>
        %dma_start3A_148 = tpu.memref_squeeze %dma_start3A_147 : memref<1x1x2x100xi32, #tpu.memory_space<hbm>> -> memref<2x100xi32, #tpu.memory_space<hbm>>
        %dma_start3A_149 = arith.constant 0 : i32
        %dma_start3A_150 = arith.constant 0 : i32
        %dma_start3A_151 = tpu.memref_slice %arg3[%add3A, %add3A_94, %dma_start3A_149, %dma_start3A_150] : memref<32x100x2x100xi32, #tpu.memory_space<hbm>> -> memref<1x1x2x100xi32, #tpu.memory_space<hbm>>
        %dma_start3A_152 = tpu.memref_squeeze %dma_start3A_151 : memref<1x1x2x100xi32, #tpu.memory_space<hbm>> -> memref<2x100xi32, #tpu.memory_space<hbm>>
        tpu.enqueue_dma source(%dma_start3A_152 : memref<2x100xi32, #tpu.memory_space<hbm>>) target(%arg8 : memref<2x100xi32, #tpu.memory_space<vmem>>) target_semaphore(%run_scoped3A_144 : memref<!tpu.dma_semaphore, #tpu.memory_space<semaphore_mem>>)
        %dma_wait3A_153 = arith.constant 0 : i32
        %dma_wait3A_154 = arith.constant 0 : i32
        %dma_wait3A_155 = tpu.memref_slice %arg3[%add3A, %add3A_94, %dma_wait3A_153, %dma_wait3A_154] : memref<32x100x2x100xi32, #tpu.memory_space<hbm>> -> memref<1x1x2x100xi32, #tpu.memory_space<hbm>>
        %dma_wait3A_156 = tpu.memref_squeeze %dma_wait3A_155 : memref<1x1x2x100xi32, #tpu.memory_space<hbm>> -> memref<2x100xi32, #tpu.memory_space<hbm>>
        %dma_wait3A_157 = arith.constant 0 : i32
        %dma_wait3A_158 = arith.constant 0 : i32
        %dma_wait3A_159 = tpu.memref_slice %arg3[%add3A, %add3A_94, %dma_wait3A_157, %dma_wait3A_158] : memref<32x100x2x100xi32, #tpu.memory_space<hbm>> -> memref<1x1x2x100xi32, #tpu.memory_space<hbm>>
        %dma_wait3A_160 = tpu.memref_squeeze %dma_wait3A_159 : memref<1x1x2x100xi32, #tpu.memory_space<hbm>> -> memref<2x100xi32, #tpu.memory_space<hbm>>
        tpu.wait_dma2 semaphore(%run_scoped3A_144 : memref<!tpu.dma_semaphore, #tpu.memory_space<semaphore_mem>>) src(%dma_wait3A_160 : memref<2x100xi32, #tpu.memory_space<hbm>>) dst(%arg8 : memref<2x100xi32, #tpu.memory_space<vmem>>)
        tpu.yield
      }) : () -> ()
      %dma_start3A_95 = arith.constant 0 : i32
      %dma_start3A_96 = arith.constant 0 : i32
      %dma_start3A_97 = tpu.memref_slice %arg8[%dma_start3A_95, %dma_start3A_96] : memref<2x100xi32, #tpu.memory_space<vmem>> -> memref<1x100xi32, #tpu.memory_space<vmem>>
      %dma_start3A_98 = tpu.memref_squeeze %dma_start3A_97 : memref<1x100xi32, #tpu.memory_space<vmem>> -> memref<100xi32, #tpu.memory_space<vmem>>
      %dma_start3A_99 = arith.constant 0 : i32
      %dma_start3A_100 = arith.constant 0 : i32
      %dma_start3A_101 = tpu.memref_slice %arg2[%dma_start3A_99, %dma_start3A_100] : memref<10240x128xf32, #tpu.memory_space<hbm>> -> memref<10240x128xf32, #tpu.memory_space<hbm>>
      tpu.enqueue_indirect_dma source(%dma_start3A_101 : memref<10240x128xf32, #tpu.memory_space<hbm>>) target(%arg11 : memref<100x128xf32, #tpu.memory_space<vmem>>) offsets(%dma_start3A_98 : memref<100xi32, #tpu.memory_space<vmem>>) semaphore(%arg15 : memref<!tpu.dma_semaphore, #tpu.memory_space<semaphore_mem>>)
      %dma_wait3A_102 = arith.constant 0 : i32
      %dma_wait3A_103 = arith.constant 0 : i32
      %dma_wait3A_104 = tpu.memref_slice %arg6[%dma_wait3A_102, %dma_wait3A_103] : memref<2x100xi32, #tpu.memory_space<vmem>> -> memref<1x100xi32, #tpu.memory_space<vmem>>
      %dma_wait3A_105 = tpu.memref_squeeze %dma_wait3A_104 : memref<1x100xi32, #tpu.memory_space<vmem>> -> memref<100xi32, #tpu.memory_space<vmem>>
      %dma_wait3A_106 = arith.constant 0 : i32
      %dma_wait3A_107 = arith.constant 0 : i32
      %dma_wait3A_108 = tpu.memref_slice %arg2[%dma_wait3A_106, %dma_wait3A_107] : memref<10240x128xf32, #tpu.memory_space<hbm>> -> memref<10240x128xf32, #tpu.memory_space<hbm>>
      tpu.wait_indirect_dma semaphore(%arg13 : memref<!tpu.dma_semaphore, #tpu.memory_space<semaphore_mem>>) src(%dma_wait3A_108 : memref<10240x128xf32, #tpu.memory_space<hbm>>) dst(%arg9 : memref<100x128xf32, #tpu.memory_space<vmem>>)
      %dma_start3A_109 = arith.constant 1 : i32
      %dma_start3A_110 = arith.constant 0 : i32
      %dma_start3A_111 = tpu.memref_slice %arg6[%dma_start3A_109, %dma_start3A_110] : memref<2x100xi32, #tpu.memory_space<vmem>> -> memref<1x100xi32, #tpu.memory_space<vmem>>
      %dma_start3A_112 = tpu.memref_squeeze %dma_start3A_111 : memref<1x100xi32, #tpu.memory_space<vmem>> -> memref<100xi32, #tpu.memory_space<vmem>>
      %dma_start3A_113 = arith.constant 0 : i32
      %dma_start3A_114 = arith.constant 0 : i32
      %dma_start3A_115 = tpu.memref_slice %arg12[%dma_start3A_113, %dma_start3A_114] : memref<10240x128xf32, #tpu.memory_space<vmem_shared>> -> memref<10240x128xf32, #tpu.memory_space<vmem_shared>>
      tpu.enqueue_indirect_dma source(%arg9 : memref<100x128xf32, #tpu.memory_space<vmem>>) target(%dma_start3A_115 : memref<10240x128xf32, #tpu.memory_space<vmem_shared>>) offsets(%dma_start3A_112 : memref<100xi32, #tpu.memory_space<vmem>>) semaphore(%arg16 : memref<!tpu.dma_semaphore, #tpu.memory_space<semaphore_mem>>) {add = true}
      %dma_wait3A_116 = arith.constant 0 : i32
      %dma_wait3A_117 = arith.constant 0 : i32
      %dma_wait3A_118 = tpu.memref_slice %arg7[%dma_wait3A_116, %dma_wait3A_117] : memref<2x100xi32, #tpu.memory_space<vmem>> -> memref<1x100xi32, #tpu.memory_space<vmem>>
      %dma_wait3A_119 = tpu.memref_squeeze %dma_wait3A_118 : memref<1x100xi32, #tpu.memory_space<vmem>> -> memref<100xi32, #tpu.memory_space<vmem>>
      %dma_wait3A_120 = arith.constant 0 : i32
      %dma_wait3A_121 = arith.constant 0 : i32
      %dma_wait3A_122 = tpu.memref_slice %arg2[%dma_wait3A_120, %dma_wait3A_121] : memref<10240x128xf32, #tpu.memory_space<hbm>> -> memref<10240x128xf32, #tpu.memory_space<hbm>>
      tpu.wait_indirect_dma semaphore(%arg14 : memref<!tpu.dma_semaphore, #tpu.memory_space<semaphore_mem>>) src(%dma_wait3A_122 : memref<10240x128xf32, #tpu.memory_space<hbm>>) dst(%arg10 : memref<100x128xf32, #tpu.memory_space<vmem>>)
      %dma_start3A_123 = arith.constant 1 : i32
      %dma_start3A_124 = arith.constant 0 : i32
      %dma_start3A_125 = tpu.memref_slice %arg7[%dma_start3A_123, %dma_start3A_124] : memref<2x100xi32, #tpu.memory_space<vmem>> -> memref<1x100xi32, #tpu.memory_space<vmem>>
      %dma_start3A_126 = tpu.memref_squeeze %dma_start3A_125 : memref<1x100xi32, #tpu.memory_space<vmem>> -> memref<100xi32, #tpu.memory_space<vmem>>
      %dma_start3A_127 = arith.constant 0 : i32
      %dma_start3A_128 = arith.constant 0 : i32
      %dma_start3A_129 = tpu.memref_slice %arg12[%dma_start3A_127, %dma_start3A_128] : memref<10240x128xf32, #tpu.memory_space<vmem_shared>> -> memref<10240x128xf32, #tpu.memory_space<vmem_shared>>
      tpu.enqueue_indirect_dma source(%arg10 : memref<100x128xf32, #tpu.memory_space<vmem>>) target(%dma_start3A_129 : memref<10240x128xf32, #tpu.memory_space<vmem_shared>>) offsets(%dma_start3A_126 : memref<100xi32, #tpu.memory_space<vmem>>) semaphore(%arg17 : memref<!tpu.dma_semaphore, #tpu.memory_space<semaphore_mem>>) {add = true}
      %dma_wait3A_130 = arith.constant 0 : i32
      %dma_wait3A_131 = arith.constant 0 : i32
      %dma_wait3A_132 = tpu.memref_slice %arg8[%dma_wait3A_130, %dma_wait3A_131] : memref<2x100xi32, #tpu.memory_space<vmem>> -> memref<1x100xi32, #tpu.memory_space<vmem>>
      %dma_wait3A_133 = tpu.memref_squeeze %dma_wait3A_132 : memref<1x100xi32, #tpu.memory_space<vmem>> -> memref<100xi32, #tpu.memory_space<vmem>>
      %dma_wait3A_134 = arith.constant 0 : i32
      %dma_wait3A_135 = arith.constant 0 : i32
      %dma_wait3A_136 = tpu.memref_slice %arg2[%dma_wait3A_134, %dma_wait3A_135] : memref<10240x128xf32, #tpu.memory_space<hbm>> -> memref<10240x128xf32, #tpu.memory_space<hbm>>
      tpu.wait_indirect_dma semaphore(%arg15 : memref<!tpu.dma_semaphore, #tpu.memory_space<semaphore_mem>>) src(%dma_wait3A_136 : memref<10240x128xf32, #tpu.memory_space<hbm>>) dst(%arg11 : memref<100x128xf32, #tpu.memory_space<vmem>>)
      %dma_start3A_137 = arith.constant 1 : i32
      %dma_start3A_138 = arith.constant 0 : i32
      %dma_start3A_139 = tpu.memref_slice %arg8[%dma_start3A_137, %dma_start3A_138] : memref<2x100xi32, #tpu.memory_space<vmem>> -> memref<1x100xi32, #tpu.memory_space<vmem>>
      %dma_start3A_140 = tpu.memref_squeeze %dma_start3A_139 : memref<1x100xi32, #tpu.memory_space<vmem>> -> memref<100xi32, #tpu.memory_space<vmem>>
      %dma_start3A_141 = arith.constant 0 : i32
      %dma_start3A_142 = arith.constant 0 : i32
      %dma_start3A_143 = tpu.memref_slice %arg12[%dma_start3A_141, %dma_start3A_142] : memref<10240x128xf32, #tpu.memory_space<vmem_shared>> -> memref<10240x128xf32, #tpu.memory_space<vmem_shared>>
      tpu.enqueue_indirect_dma source(%arg11 : memref<100x128xf32, #tpu.memory_space<vmem>>) target(%dma_start3A_143 : memref<10240x128xf32, #tpu.memory_space<vmem_shared>>) offsets(%dma_start3A_140 : memref<100xi32, #tpu.memory_space<vmem>>) semaphore(%arg18 : memref<!tpu.dma_semaphore, #tpu.memory_space<semaphore_mem>>) {add = true}
    }
    %scan3A_7 = arith.constant 33 : i32
    %dma_wait3A = arith.constant 1 : i32
    %dma_wait3A_8 = arith.constant 0 : i32
    %dma_wait3A_9 = tpu.memref_slice %arg6[%dma_wait3A, %dma_wait3A_8] : memref<2x100xi32, #tpu.memory_space<vmem>> -> memref<1x100xi32, #tpu.memory_space<vmem>>
    %dma_wait3A_10 = tpu.memref_squeeze %dma_wait3A_9 : memref<1x100xi32, #tpu.memory_space<vmem>> -> memref<100xi32, #tpu.memory_space<vmem>>
    %dma_wait3A_11 = arith.constant 0 : i32
    %dma_wait3A_12 = arith.constant 0 : i32
    %dma_wait3A_13 = tpu.memref_slice %arg12[%dma_wait3A_11, %dma_wait3A_12] : memref<10240x128xf32, #tpu.memory_space<vmem_shared>> -> memref<10240x128xf32, #tpu.memory_space<vmem_shared>>
    tpu.wait_indirect_dma semaphore(%arg16 : memref<!tpu.dma_semaphore, #tpu.memory_space<semaphore_mem>>) src(%arg9 : memref<100x128xf32, #tpu.memory_space<vmem>>) dst(%dma_wait3A_13 : memref<10240x128xf32, #tpu.memory_space<vmem_shared>>)
    %run_scoped3A = arith.constant 99 : i32
    "tpu.region"() ({
      %run_scoped3A_56 = tpu.sem_alloc : memref<!tpu.dma_semaphore, #tpu.memory_space<semaphore_mem>>
      %dma_start3A_57 = arith.constant 0 : i32
      %dma_start3A_58 = arith.constant 0 : i32
      %dma_start3A_59 = tpu.memref_slice %arg3[%add3A, %run_scoped3A, %dma_start3A_57, %dma_start3A_58] : memref<32x100x2x100xi32, #tpu.memory_space<hbm>> -> memref<1x1x2x100xi32, #tpu.memory_space<hbm>>
      %dma_start3A_60 = tpu.memref_squeeze %dma_start3A_59 : memref<1x1x2x100xi32, #tpu.memory_space<hbm>> -> memref<2x100xi32, #tpu.memory_space<hbm>>
      %dma_start3A_61 = arith.constant 0 : i32
      %dma_start3A_62 = arith.constant 0 : i32
      %dma_start3A_63 = tpu.memref_slice %arg3[%add3A, %run_scoped3A, %dma_start3A_61, %dma_start3A_62] : memref<32x100x2x100xi32, #tpu.memory_space<hbm>> -> memref<1x1x2x100xi32, #tpu.memory_space<hbm>>
      %dma_start3A_64 = tpu.memref_squeeze %dma_start3A_63 : memref<1x1x2x100xi32, #tpu.memory_space<hbm>> -> memref<2x100xi32, #tpu.memory_space<hbm>>
      tpu.enqueue_dma source(%dma_start3A_64 : memref<2x100xi32, #tpu.memory_space<hbm>>) target(%arg6 : memref<2x100xi32, #tpu.memory_space<vmem>>) target_semaphore(%run_scoped3A_56 : memref<!tpu.dma_semaphore, #tpu.memory_space<semaphore_mem>>)
      %dma_wait3A_65 = arith.constant 0 : i32
      %dma_wait3A_66 = arith.constant 0 : i32
      %dma_wait3A_67 = tpu.memref_slice %arg3[%add3A, %run_scoped3A, %dma_wait3A_65, %dma_wait3A_66] : memref<32x100x2x100xi32, #tpu.memory_space<hbm>> -> memref<1x1x2x100xi32, #tpu.memory_space<hbm>>
      %dma_wait3A_68 = tpu.memref_squeeze %dma_wait3A_67 : memref<1x1x2x100xi32, #tpu.memory_space<hbm>> -> memref<2x100xi32, #tpu.memory_space<hbm>>
      %dma_wait3A_69 = arith.constant 0 : i32
      %dma_wait3A_70 = arith.constant 0 : i32
      %dma_wait3A_71 = tpu.memref_slice %arg3[%add3A, %run_scoped3A, %dma_wait3A_69, %dma_wait3A_70] : memref<32x100x2x100xi32, #tpu.memory_space<hbm>> -> memref<1x1x2x100xi32, #tpu.memory_space<hbm>>
      %dma_wait3A_72 = tpu.memref_squeeze %dma_wait3A_71 : memref<1x1x2x100xi32, #tpu.memory_space<hbm>> -> memref<2x100xi32, #tpu.memory_space<hbm>>
      tpu.wait_dma2 semaphore(%run_scoped3A_56 : memref<!tpu.dma_semaphore, #tpu.memory_space<semaphore_mem>>) src(%dma_wait3A_72 : memref<2x100xi32, #tpu.memory_space<hbm>>) dst(%arg6 : memref<2x100xi32, #tpu.memory_space<vmem>>)
      tpu.yield
    }) : () -> ()
    %dma_start3A = arith.constant 0 : i32
    %dma_start3A_14 = arith.constant 0 : i32
    %dma_start3A_15 = tpu.memref_slice %arg6[%dma_start3A, %dma_start3A_14] : memref<2x100xi32, #tpu.memory_space<vmem>> -> memref<1x100xi32, #tpu.memory_space<vmem>>
    %dma_start3A_16 = tpu.memref_squeeze %dma_start3A_15 : memref<1x100xi32, #tpu.memory_space<vmem>> -> memref<100xi32, #tpu.memory_space<vmem>>
    %dma_start3A_17 = arith.constant 0 : i32
    %dma_start3A_18 = arith.constant 0 : i32
    %dma_start3A_19 = tpu.memref_slice %arg2[%dma_start3A_17, %dma_start3A_18] : memref<10240x128xf32, #tpu.memory_space<hbm>> -> memref<10240x128xf32, #tpu.memory_space<hbm>>
    tpu.enqueue_indirect_dma source(%dma_start3A_19 : memref<10240x128xf32, #tpu.memory_space<hbm>>) target(%arg9 : memref<100x128xf32, #tpu.memory_space<vmem>>) offsets(%dma_start3A_16 : memref<100xi32, #tpu.memory_space<vmem>>) semaphore(%arg13 : memref<!tpu.dma_semaphore, #tpu.memory_space<semaphore_mem>>)
    %dma_wait3A_20 = arith.constant 0 : i32
    %dma_wait3A_21 = arith.constant 0 : i32
    %dma_wait3A_22 = tpu.memref_slice %arg6[%dma_wait3A_20, %dma_wait3A_21] : memref<2x100xi32, #tpu.memory_space<vmem>> -> memref<1x100xi32, #tpu.memory_space<vmem>>
    %dma_wait3A_23 = tpu.memref_squeeze %dma_wait3A_22 : memref<1x100xi32, #tpu.memory_space<vmem>> -> memref<100xi32, #tpu.memory_space<vmem>>
    %dma_wait3A_24 = arith.constant 0 : i32
    %dma_wait3A_25 = arith.constant 0 : i32
    %dma_wait3A_26 = tpu.memref_slice %arg2[%dma_wait3A_24, %dma_wait3A_25] : memref<10240x128xf32, #tpu.memory_space<hbm>> -> memref<10240x128xf32, #tpu.memory_space<hbm>>
    tpu.wait_indirect_dma semaphore(%arg13 : memref<!tpu.dma_semaphore, #tpu.memory_space<semaphore_mem>>) src(%dma_wait3A_26 : memref<10240x128xf32, #tpu.memory_space<hbm>>) dst(%arg9 : memref<100x128xf32, #tpu.memory_space<vmem>>)
    %dma_start3A_27 = arith.constant 1 : i32
    %dma_start3A_28 = arith.constant 0 : i32
    %dma_start3A_29 = tpu.memref_slice %arg6[%dma_start3A_27, %dma_start3A_28] : memref<2x100xi32, #tpu.memory_space<vmem>> -> memref<1x100xi32, #tpu.memory_space<vmem>>
    %dma_start3A_30 = tpu.memref_squeeze %dma_start3A_29 : memref<1x100xi32, #tpu.memory_space<vmem>> -> memref<100xi32, #tpu.memory_space<vmem>>
    %dma_start3A_31 = arith.constant 0 : i32
    %dma_start3A_32 = arith.constant 0 : i32
    %dma_start3A_33 = tpu.memref_slice %arg12[%dma_start3A_31, %dma_start3A_32] : memref<10240x128xf32, #tpu.memory_space<vmem_shared>> -> memref<10240x128xf32, #tpu.memory_space<vmem_shared>>
    tpu.enqueue_indirect_dma source(%arg9 : memref<100x128xf32, #tpu.memory_space<vmem>>) target(%dma_start3A_33 : memref<10240x128xf32, #tpu.memory_space<vmem_shared>>) offsets(%dma_start3A_30 : memref<100xi32, #tpu.memory_space<vmem>>) semaphore(%arg16 : memref<!tpu.dma_semaphore, #tpu.memory_space<semaphore_mem>>) {add = true}
    %dma_wait3A_34 = arith.constant 1 : i32
    %dma_wait3A_35 = arith.constant 0 : i32
    %dma_wait3A_36 = tpu.memref_slice %arg7[%dma_wait3A_34, %dma_wait3A_35] : memref<2x100xi32, #tpu.memory_space<vmem>> -> memref<1x100xi32, #tpu.memory_space<vmem>>
    %dma_wait3A_37 = tpu.memref_squeeze %dma_wait3A_36 : memref<1x100xi32, #tpu.memory_space<vmem>> -> memref<100xi32, #tpu.memory_space<vmem>>
    %dma_wait3A_38 = arith.constant 0 : i32
    %dma_wait3A_39 = arith.constant 0 : i32
    %dma_wait3A_40 = tpu.memref_slice %arg12[%dma_wait3A_38, %dma_wait3A_39] : memref<10240x128xf32, #tpu.memory_space<vmem_shared>> -> memref<10240x128xf32, #tpu.memory_space<vmem_shared>>
    tpu.wait_indirect_dma semaphore(%arg17 : memref<!tpu.dma_semaphore, #tpu.memory_space<semaphore_mem>>) src(%arg10 : memref<100x128xf32, #tpu.memory_space<vmem>>) dst(%dma_wait3A_40 : memref<10240x128xf32, #tpu.memory_space<vmem_shared>>)
    %dma_wait3A_41 = arith.constant 1 : i32
    %dma_wait3A_42 = arith.constant 0 : i32
    %dma_wait3A_43 = tpu.memref_slice %arg8[%dma_wait3A_41, %dma_wait3A_42] : memref<2x100xi32, #tpu.memory_space<vmem>> -> memref<1x100xi32, #tpu.memory_space<vmem>>
    %dma_wait3A_44 = tpu.memref_squeeze %dma_wait3A_43 : memref<1x100xi32, #tpu.memory_space<vmem>> -> memref<100xi32, #tpu.memory_space<vmem>>
    %dma_wait3A_45 = arith.constant 0 : i32
    %dma_wait3A_46 = arith.constant 0 : i32
    %dma_wait3A_47 = tpu.memref_slice %arg12[%dma_wait3A_45, %dma_wait3A_46] : memref<10240x128xf32, #tpu.memory_space<vmem_shared>> -> memref<10240x128xf32, #tpu.memory_space<vmem_shared>>
    tpu.wait_indirect_dma semaphore(%arg18 : memref<!tpu.dma_semaphore, #tpu.memory_space<semaphore_mem>>) src(%arg11 : memref<100x128xf32, #tpu.memory_space<vmem>>) dst(%dma_wait3A_47 : memref<10240x128xf32, #tpu.memory_space<vmem_shared>>)
    %dma_wait3A_48 = arith.constant 1 : i32
    %dma_wait3A_49 = arith.constant 0 : i32
    %dma_wait3A_50 = tpu.memref_slice %arg6[%dma_wait3A_48, %dma_wait3A_49] : memref<2x100xi32, #tpu.memory_space<vmem>> -> memref<1x100xi32, #tpu.memory_space<vmem>>
    %dma_wait3A_51 = tpu.memref_squeeze %dma_wait3A_50 : memref<1x100xi32, #tpu.memory_space<vmem>> -> memref<100xi32, #tpu.memory_space<vmem>>
    %dma_wait3A_52 = arith.constant 0 : i32
    %dma_wait3A_53 = arith.constant 0 : i32
    %dma_wait3A_54 = tpu.memref_slice %arg12[%dma_wait3A_52, %dma_wait3A_53] : memref<10240x128xf32, #tpu.memory_space<vmem_shared>> -> memref<10240x128xf32, #tpu.memory_space<vmem_shared>>
    tpu.wait_indirect_dma semaphore(%arg16 : memref<!tpu.dma_semaphore, #tpu.memory_space<semaphore_mem>>) src(%arg9 : memref<100x128xf32, #tpu.memory_space<vmem>>) dst(%dma_wait3A_54 : memref<10240x128xf32, #tpu.memory_space<vmem_shared>>)
    %barrier3A_55 = arith.constant 0 : index
    tpu.barrier barrier_id(%barrier3A_55)
    "tpu.region"() ({
      %run_scoped3A_56 = tpu.sem_alloc : memref<!tpu.dma_semaphore, #tpu.memory_space<semaphore_mem>>
      %dma_start3A_57 = arith.constant 0 : i32
      %dma_start3A_58 = tpu.memref_slice %arg5[%arg0, %mul3A_2, %dma_start3A_57] : memref<2x10240x128xf32, #tpu.memory_space<hbm>> -> memref<1x640x128xf32, #tpu.memory_space<hbm>>
      %dma_start3A_59 = tpu.memref_squeeze %dma_start3A_58 : memref<1x640x128xf32, #tpu.memory_space<hbm>> -> memref<640x128xf32, #tpu.memory_space<hbm>>
      %dma_start3A_60 = arith.constant 0 : i32
      %dma_start3A_61 = tpu.memref_slice %arg12[%mul3A_2, %dma_start3A_60] : memref<10240x128xf32, #tpu.memory_space<vmem_shared>> -> memref<640x128xf32, #tpu.memory_space<vmem_shared>>
      tpu.enqueue_dma source(%dma_start3A_61 : memref<640x128xf32, #tpu.memory_space<vmem_shared>>) target(%dma_start3A_59 : memref<640x128xf32, #tpu.memory_space<hbm>>) target_semaphore(%run_scoped3A_56 : memref<!tpu.dma_semaphore, #tpu.memory_space<semaphore_mem>>)
      %dma_wait3A_62 = arith.constant 0 : i32
      %dma_wait3A_63 = tpu.memref_slice %arg5[%arg0, %mul3A_2, %dma_wait3A_62] : memref<2x10240x128xf32, #tpu.memory_space<hbm>> -> memref<1x640x128xf32, #tpu.memory_space<hbm>>
      %dma_wait3A_64 = tpu.memref_squeeze %dma_wait3A_63 : memref<1x640x128xf32, #tpu.memory_space<hbm>> -> memref<640x128xf32, #tpu.memory_space<hbm>>
      %dma_wait3A_65 = arith.constant 0 : i32
      %dma_wait3A_66 = tpu.memref_slice %arg12[%mul3A_2, %dma_wait3A_65] : memref<10240x128xf32, #tpu.memory_space<vmem_shared>> -> memref<640x128xf32, #tpu.memory_space<vmem_shared>>
      tpu.wait_dma2 semaphore(%run_scoped3A_56 : memref<!tpu.dma_semaphore, #tpu.memory_space<semaphore_mem>>) src(%dma_wait3A_66 : memref<640x128xf32, #tpu.memory_space<vmem_shared>>) dst(%dma_wait3A_64 : memref<640x128xf32, #tpu.memory_space<hbm>>)
      tpu.yield
    }) : () -> ()
    return
  }
}

#map = affine_map<(d0, d1) -> (0, 0, 0)>
#map1 = affine_map<(d0, d1) -> (0, 0)>
module attributes {stable_mosaic.version = 14 : i64} {
  func.func @body(%arg0: i32, %arg1: i32, %arg2: memref<32x100x100xi32, #tpu.memory_space<hbm>>, %arg3: memref<10240x128xf32, #tpu.memory_space<hbm>>, %arg4: memref<100x128xf32, #tpu.memory_space<hbm>>, %arg5: memref<2x10240x128xf32, #tpu.memory_space<hbm>>, %arg6: memref<100x100xi32, #tpu.memory_space<vmem>>, %arg7: memref<100x128xf32, #tpu.memory_space<vmem>>, %arg8: memref<10240x128xf32, #tpu.memory_space<vmem_shared>>) attributes {dimension_semantics = [#tpu.dimension_semantics<core_parallel>, #tpu.dimension_semantics<subcore_parallel>], iteration_bounds = array<i64: 2, 16>, scalar_prefetch = 0 : i64, scratch_operands = 3 : i64, tpu.core_type = #tpu.core_type<sc_vector_subcore>, window_params = [{transform_indices = #map}, {transform_indices = #map1}, {transform_indices = #map1}, {transform_indices = #map}]} {
    %mul3A = arith.constant 2 : i32
    %mul3A_0 = arith.muli %arg1, %mul3A : i32
    %add3A = arith.addi %mul3A_0, %arg0 : i32
    %mul3A_1 = arith.constant 640 : i32
    %mul3A_2 = arith.muli %arg1, %mul3A_1 : i32
    "tpu.region"() ({
      %run_scoped3A = tpu.sem_alloc : memref<!tpu.dma_semaphore, #tpu.memory_space<semaphore_mem>>
      %dma_start3A = arith.constant 0 : i32
      %dma_start3A_9 = tpu.memref_slice %arg8[%mul3A_2, %dma_start3A] : memref<10240x128xf32, #tpu.memory_space<vmem_shared>> -> memref<640x128xf32, #tpu.memory_space<vmem_shared>>
      %dma_start3A_10 = arith.constant 0 : i32
      %dma_start3A_11 = tpu.memref_slice %arg3[%mul3A_2, %dma_start3A_10] : memref<10240x128xf32, #tpu.memory_space<hbm>> -> memref<640x128xf32, #tpu.memory_space<hbm>>
      tpu.enqueue_dma source(%dma_start3A_11 : memref<640x128xf32, #tpu.memory_space<hbm>>) target(%dma_start3A_9 : memref<640x128xf32, #tpu.memory_space<vmem_shared>>) target_semaphore(%run_scoped3A : memref<!tpu.dma_semaphore, #tpu.memory_space<semaphore_mem>>)
      %dma_wait3A = arith.constant 0 : i32
      %dma_wait3A_12 = tpu.memref_slice %arg8[%mul3A_2, %dma_wait3A] : memref<10240x128xf32, #tpu.memory_space<vmem_shared>> -> memref<640x128xf32, #tpu.memory_space<vmem_shared>>
      %dma_wait3A_13 = arith.constant 0 : i32
      %dma_wait3A_14 = tpu.memref_slice %arg3[%mul3A_2, %dma_wait3A_13] : memref<10240x128xf32, #tpu.memory_space<hbm>> -> memref<640x128xf32, #tpu.memory_space<hbm>>
      tpu.wait_dma2 semaphore(%run_scoped3A : memref<!tpu.dma_semaphore, #tpu.memory_space<semaphore_mem>>) src(%dma_wait3A_14 : memref<640x128xf32, #tpu.memory_space<hbm>>) dst(%dma_wait3A_12 : memref<640x128xf32, #tpu.memory_space<vmem_shared>>)
      tpu.yield
    }) : () -> ()
    "tpu.region"() ({
      %run_scoped3A = tpu.sem_alloc : memref<!tpu.dma_semaphore, #tpu.memory_space<semaphore_mem>>
      tpu.enqueue_dma source(%arg4 : memref<100x128xf32, #tpu.memory_space<hbm>>) target(%arg7 : memref<100x128xf32, #tpu.memory_space<vmem>>) target_semaphore(%run_scoped3A : memref<!tpu.dma_semaphore, #tpu.memory_space<semaphore_mem>>)
      tpu.wait_dma2 semaphore(%run_scoped3A : memref<!tpu.dma_semaphore, #tpu.memory_space<semaphore_mem>>) src(%arg4 : memref<100x128xf32, #tpu.memory_space<hbm>>) dst(%arg7 : memref<100x128xf32, #tpu.memory_space<vmem>>)
      tpu.yield
    }) : () -> ()
    "tpu.region"() ({
      %run_scoped3A = tpu.sem_alloc : memref<!tpu.dma_semaphore, #tpu.memory_space<semaphore_mem>>
      %dma_start3A = arith.constant 0 : i32
      %dma_start3A_9 = arith.constant 0 : i32
      %dma_start3A_10 = tpu.memref_slice %arg2[%add3A, %dma_start3A, %dma_start3A_9] : memref<32x100x100xi32, #tpu.memory_space<hbm>> -> memref<1x100x100xi32, #tpu.memory_space<hbm>>
      %dma_start3A_11 = tpu.memref_squeeze %dma_start3A_10 : memref<1x100x100xi32, #tpu.memory_space<hbm>> -> memref<100x100xi32, #tpu.memory_space<hbm>>
      %dma_start3A_12 = arith.constant 0 : i32
      %dma_start3A_13 = arith.constant 0 : i32
      %dma_start3A_14 = tpu.memref_slice %arg2[%add3A, %dma_start3A_12, %dma_start3A_13] : memref<32x100x100xi32, #tpu.memory_space<hbm>> -> memref<1x100x100xi32, #tpu.memory_space<hbm>>
      %dma_start3A_15 = tpu.memref_squeeze %dma_start3A_14 : memref<1x100x100xi32, #tpu.memory_space<hbm>> -> memref<100x100xi32, #tpu.memory_space<hbm>>
      tpu.enqueue_dma source(%dma_start3A_15 : memref<100x100xi32, #tpu.memory_space<hbm>>) target(%arg6 : memref<100x100xi32, #tpu.memory_space<vmem>>) target_semaphore(%run_scoped3A : memref<!tpu.dma_semaphore, #tpu.memory_space<semaphore_mem>>)
      %dma_wait3A = arith.constant 0 : i32
      %dma_wait3A_16 = arith.constant 0 : i32
      %dma_wait3A_17 = tpu.memref_slice %arg2[%add3A, %dma_wait3A, %dma_wait3A_16] : memref<32x100x100xi32, #tpu.memory_space<hbm>> -> memref<1x100x100xi32, #tpu.memory_space<hbm>>
      %dma_wait3A_18 = tpu.memref_squeeze %dma_wait3A_17 : memref<1x100x100xi32, #tpu.memory_space<hbm>> -> memref<100x100xi32, #tpu.memory_space<hbm>>
      %dma_wait3A_19 = arith.constant 0 : i32
      %dma_wait3A_20 = arith.constant 0 : i32
      %dma_wait3A_21 = tpu.memref_slice %arg2[%add3A, %dma_wait3A_19, %dma_wait3A_20] : memref<32x100x100xi32, #tpu.memory_space<hbm>> -> memref<1x100x100xi32, #tpu.memory_space<hbm>>
      %dma_wait3A_22 = tpu.memref_squeeze %dma_wait3A_21 : memref<1x100x100xi32, #tpu.memory_space<hbm>> -> memref<100x100xi32, #tpu.memory_space<hbm>>
      tpu.wait_dma2 semaphore(%run_scoped3A : memref<!tpu.dma_semaphore, #tpu.memory_space<semaphore_mem>>) src(%dma_wait3A_22 : memref<100x100xi32, #tpu.memory_space<hbm>>) dst(%arg6 : memref<100x100xi32, #tpu.memory_space<vmem>>)
      tpu.yield
    }) : () -> ()
    %barrier3A = arith.constant 0 : index
    tpu.barrier barrier_id(%barrier3A)
    %scan3A = arith.constant 0 : i32
    %scan3A_3 = arith.constant 0 : i32
    %scan3A_4 = arith.constant 100 : i32
    %scan3A_5 = arith.addi %scan3A_3, %scan3A_4 : i32
    %scan3A_6 = arith.constant 1 : i32
    scf.for %scan3A_9 = %scan3A_3 to %scan3A_5 step %scan3A_6  : i32 {
      "tpu.region"() ({
        %run_scoped3A = tpu.sem_alloc : memref<!tpu.dma_semaphore, #tpu.memory_space<semaphore_mem>>
        %dma_start3A = arith.constant 0 : i32
        %dma_start3A_10 = tpu.memref_slice %arg6[%scan3A_9, %dma_start3A] : memref<100x100xi32, #tpu.memory_space<vmem>> -> memref<1x100xi32, #tpu.memory_space<vmem>>
        %dma_start3A_11 = tpu.memref_squeeze %dma_start3A_10 : memref<1x100xi32, #tpu.memory_space<vmem>> -> memref<100xi32, #tpu.memory_space<vmem>>
        %dma_start3A_12 = arith.constant 0 : i32
        %dma_start3A_13 = arith.constant 0 : i32
        %dma_start3A_14 = tpu.memref_slice %arg8[%dma_start3A_12, %dma_start3A_13] : memref<10240x128xf32, #tpu.memory_space<vmem_shared>> -> memref<10240x128xf32, #tpu.memory_space<vmem_shared>>
        tpu.enqueue_indirect_dma source(%arg7 : memref<100x128xf32, #tpu.memory_space<vmem>>) target(%dma_start3A_14 : memref<10240x128xf32, #tpu.memory_space<vmem_shared>>) offsets(%dma_start3A_11 : memref<100xi32, #tpu.memory_space<vmem>>) semaphore(%run_scoped3A : memref<!tpu.dma_semaphore, #tpu.memory_space<semaphore_mem>>) {add = true}
        %dma_wait3A = arith.constant 0 : i32
        %dma_wait3A_15 = tpu.memref_slice %arg6[%scan3A_9, %dma_wait3A] : memref<100x100xi32, #tpu.memory_space<vmem>> -> memref<1x100xi32, #tpu.memory_space<vmem>>
        %dma_wait3A_16 = tpu.memref_squeeze %dma_wait3A_15 : memref<1x100xi32, #tpu.memory_space<vmem>> -> memref<100xi32, #tpu.memory_space<vmem>>
        %dma_wait3A_17 = arith.constant 0 : i32
        %dma_wait3A_18 = arith.constant 0 : i32
        %dma_wait3A_19 = tpu.memref_slice %arg8[%dma_wait3A_17, %dma_wait3A_18] : memref<10240x128xf32, #tpu.memory_space<vmem_shared>> -> memref<10240x128xf32, #tpu.memory_space<vmem_shared>>
        tpu.wait_indirect_dma semaphore(%run_scoped3A : memref<!tpu.dma_semaphore, #tpu.memory_space<semaphore_mem>>) src(%arg7 : memref<100x128xf32, #tpu.memory_space<vmem>>) dst(%dma_wait3A_19 : memref<10240x128xf32, #tpu.memory_space<vmem_shared>>)
        tpu.yield
      }) : () -> ()
    }
    %scan3A_7 = arith.constant 100 : i32
    %barrier3A_8 = arith.constant 0 : index
    tpu.barrier barrier_id(%barrier3A_8)
    "tpu.region"() ({
      %run_scoped3A = tpu.sem_alloc : memref<!tpu.dma_semaphore, #tpu.memory_space<semaphore_mem>>
      %dma_start3A = arith.constant 0 : i32
      %dma_start3A_9 = tpu.memref_slice %arg5[%arg0, %mul3A_2, %dma_start3A] : memref<2x10240x128xf32, #tpu.memory_space<hbm>> -> memref<1x640x128xf32, #tpu.memory_space<hbm>>
      %dma_start3A_10 = tpu.memref_squeeze %dma_start3A_9 : memref<1x640x128xf32, #tpu.memory_space<hbm>> -> memref<640x128xf32, #tpu.memory_space<hbm>>
      %dma_start3A_11 = arith.constant 0 : i32
      %dma_start3A_12 = tpu.memref_slice %arg8[%mul3A_2, %dma_start3A_11] : memref<10240x128xf32, #tpu.memory_space<vmem_shared>> -> memref<640x128xf32, #tpu.memory_space<vmem_shared>>
      tpu.enqueue_dma source(%dma_start3A_12 : memref<640x128xf32, #tpu.memory_space<vmem_shared>>) target(%dma_start3A_10 : memref<640x128xf32, #tpu.memory_space<hbm>>) target_semaphore(%run_scoped3A : memref<!tpu.dma_semaphore, #tpu.memory_space<semaphore_mem>>)
      %dma_wait3A = arith.constant 0 : i32
      %dma_wait3A_13 = tpu.memref_slice %arg5[%arg0, %mul3A_2, %dma_wait3A] : memref<2x10240x128xf32, #tpu.memory_space<hbm>> -> memref<1x640x128xf32, #tpu.memory_space<hbm>>
      %dma_wait3A_14 = tpu.memref_squeeze %dma_wait3A_13 : memref<1x640x128xf32, #tpu.memory_space<hbm>> -> memref<640x128xf32, #tpu.memory_space<hbm>>
      %dma_wait3A_15 = arith.constant 0 : i32
      %dma_wait3A_16 = tpu.memref_slice %arg8[%mul3A_2, %dma_wait3A_15] : memref<10240x128xf32, #tpu.memory_space<vmem_shared>> -> memref<640x128xf32, #tpu.memory_space<vmem_shared>>
      tpu.wait_dma2 semaphore(%run_scoped3A : memref<!tpu.dma_semaphore, #tpu.memory_space<semaphore_mem>>) src(%dma_wait3A_16 : memref<640x128xf32, #tpu.memory_space<vmem_shared>>) dst(%dma_wait3A_14 : memref<640x128xf32, #tpu.memory_space<hbm>>)
      tpu.yield
    }) : () -> ()
    return
  }
}

module attributes {stable_mosaic.version = 14 : i64} {
  func.func @_tc_in_body(%arg0: i32, %arg1: memref<640x128xf32, #tpu.memory_space<vmem>>, %arg2: memref<128x128xf32, #tpu.memory_space<vmem>>, %arg3: memref<128x128xf32, #tpu.memory_space<vmem>>, %arg4: memref<1x128xf32, #tpu.memory_space<vmem>>, %arg5: memref<640x128xf32, #tpu.memory_space<vmem>>, %arg6: memref<640x128xf32, #tpu.memory_space<vmem>>) attributes {dimension_semantics = [#tpu.dimension_semantics<arbitrary>], iteration_bounds = array<i64: 16>, scalar_prefetch = 0 : i64, scratch_operands = 0 : i64, tpu.core_type = #tpu.core_type<tc>, window_params = [{transform_indices = @transform_0, window_bounds = array<i64: 640, 128>}, {pipeline_mode = #tpu.pipeline_mode<synchronous>, transform_indices = @transform_1, window_bounds = array<i64: 128, 128>}, {pipeline_mode = #tpu.pipeline_mode<synchronous>, transform_indices = @transform_2, window_bounds = array<i64: 128, 128>}, {pipeline_mode = #tpu.pipeline_mode<synchronous>, transform_indices = @transform_3, window_bounds = array<i64: 1, 128>}, {transform_indices = @transform_4, window_bounds = array<i64: 640, 128>}, {transform_indices = @transform_5, window_bounds = array<i64: 640, 128>}]} {
    %get3A = arith.constant 0 : index
    %get3A_0 = arith.constant 0 : index
    %get3A_1 = vector.load %arg1[%get3A, %get3A_0] : memref<640x128xf32, #tpu.memory_space<vmem>>, vector<640x128xf32>
    %get3A_2 = arith.constant 0 : index
    %get3A_3 = arith.constant 0 : index
    %get3A_4 = vector.load %arg2[%get3A_2, %get3A_3] : memref<128x128xf32, #tpu.memory_space<vmem>>, vector<128x128xf32>
    %dot_general3A = arith.constant dense<0.000000e+00> : vector<640x128xf32>
    %dot_general3A_5 = tpu.matmul %get3A_1, %get3A_4, %dot_general3A {dimension_numbers = #tpu.dot_dimension_numbers<[1], [0], [0], [1], [0, 0, 1, 1], [], []>, transpose_lhs_hint = false} : vector<640x128xf32>, vector<128x128xf32>, vector<640x128xf32> -> vector<640x128xf32>
    %swap3A = arith.constant 0 : index
    %swap3A_6 = arith.constant 0 : index
    %swap3A_7 = vector.load %arg5[%swap3A, %swap3A_6] : memref<640x128xf32, #tpu.memory_space<vmem>>, vector<640x128xf32>
    tpu.vector_store %arg5[%swap3A, %swap3A_6], %dot_general3A_5 {strides = array<i32>} : memref<640x128xf32, #tpu.memory_space<vmem>>, vector<640x128xf32>,
    %get3A_8 = arith.constant 0 : index
    %get3A_9 = arith.constant 0 : index
    %get3A_10 = vector.load %arg3[%get3A_8, %get3A_9] : memref<128x128xf32, #tpu.memory_space<vmem>>, vector<128x128xf32>
    %dot_general3A_11 = arith.constant dense<0.000000e+00> : vector<640x128xf32>
    %dot_general3A_12 = tpu.matmul %get3A_1, %get3A_10, %dot_general3A_11 {dimension_numbers = #tpu.dot_dimension_numbers<[1], [0], [0], [1], [0, 0, 1, 1], [], []>, transpose_lhs_hint = false} : vector<640x128xf32>, vector<128x128xf32>, vector<640x128xf32> -> vector<640x128xf32>
    %get3A_13 = arith.constant 0 : index
    %get3A_14 = arith.constant 0 : index
    %get3A_15 = vector.load %arg4[%get3A_13, %get3A_14] : memref<1x128xf32, #tpu.memory_space<vmem>>, vector<1x128xf32>
    %add3A = vector.broadcast %get3A_15 : vector<1x128xf32> to vector<640x128xf32>
    %add3A_16 = arith.addf %dot_general3A_12, %add3A : vector<640x128xf32>
    %swap3A_17 = arith.constant 0 : index
    %swap3A_18 = arith.constant 0 : index
    %swap3A_19 = vector.load %arg6[%swap3A_17, %swap3A_18] : memref<640x128xf32, #tpu.memory_space<vmem>>, vector<640x128xf32>
    tpu.vector_store %arg6[%swap3A_17, %swap3A_18], %add3A_16 {strides = array<i32>} : memref<640x128xf32, #tpu.memory_space<vmem>>, vector<640x128xf32>,
    return
  }
  func.func @transform_0(%arg0: i32) -> (i32, i32) {
    %c0_i32 = arith.constant 0 : i32
    %c0_i32_0 = arith.constant 0 : i32
    return %arg0, %c0_i32 : i32, i32
  }
  func.func @transform_1(%arg0: i32) -> (i32, i32) {
    %c0_i32 = arith.constant 0 : i32
    %c0_i32_0 = arith.constant 0 : i32
    %c0_i32_1 = arith.constant 0 : i32
    return %c0_i32, %c0_i32_0 : i32, i32
  }
  func.func @transform_2(%arg0: i32) -> (i32, i32) {
    %c0_i32 = arith.constant 0 : i32
    %c0_i32_0 = arith.constant 0 : i32
    %c0_i32_1 = arith.constant 0 : i32
    return %c0_i32, %c0_i32_0 : i32, i32
  }
  func.func @transform_3(%arg0: i32) -> (i32, i32) {
    %c0_i32 = arith.constant 0 : i32
    %c0_i32_0 = arith.constant 0 : i32
    %c0_i32_1 = arith.constant 0 : i32
    return %c0_i32, %c0_i32_0 : i32, i32
  }
  func.func @transform_4(%arg0: i32) -> (i32, i32) {
    %c0_i32 = arith.constant 0 : i32
    %c0_i32_0 = arith.constant 0 : i32
    return %arg0, %c0_i32 : i32, i32
  }
  func.func @transform_5(%arg0: i32) -> (i32, i32) {
    %c0_i32 = arith.constant 0 : i32
    %c0_i32_0 = arith.constant 0 : i32
    return %arg0, %c0_i32 : i32, i32
  }
}

module attributes {stable_mosaic.version = 14 : i64} {
  func.func @_tc_mid_body(%arg0: i32, %arg1: memref<640x128xf32, #tpu.memory_space<vmem>>, %arg2: memref<640x128xf32, #tpu.memory_space<vmem>>, %arg3: memref<640x128xf32, #tpu.memory_space<vmem>>, %arg4: memref<640x128xf32, #tpu.memory_space<vmem>>, %arg5: memref<640x128xf32, #tpu.memory_space<vmem>>, %arg6: memref<128x128xf32, #tpu.memory_space<vmem>>, %arg7: memref<128x128xf32, #tpu.memory_space<vmem>>, %arg8: memref<1x128xf32, #tpu.memory_space<vmem>>, %arg9: memref<640x128xf32, #tpu.memory_space<vmem>>, %arg10: memref<640x128xf32, #tpu.memory_space<vmem>>, %arg11: memref<640x8xf32, #tpu.memory_space<vmem>>) attributes {dimension_semantics = [#tpu.dimension_semantics<arbitrary>], iteration_bounds = array<i64: 16>, scalar_prefetch = 0 : i64, scratch_operands = 0 : i64, tpu.core_type = #tpu.core_type<tc>, window_params = [{transform_indices = @transform_0, window_bounds = array<i64: 640, 128>}, {transform_indices = @transform_1, window_bounds = array<i64: 640, 128>}, {transform_indices = @transform_2, window_bounds = array<i64: 640, 128>}, {transform_indices = @transform_3, window_bounds = array<i64: 640, 128>}, {transform_indices = @transform_4, window_bounds = array<i64: 640, 128>}, {pipeline_mode = #tpu.pipeline_mode<synchronous>, transform_indices = @transform_5, window_bounds = array<i64: 128, 128>}, {pipeline_mode = #tpu.pipeline_mode<synchronous>, transform_indices = @transform_6, window_bounds = array<i64: 128, 128>}, {pipeline_mode = #tpu.pipeline_mode<synchronous>, transform_indices = @transform_7, window_bounds = array<i64: 1, 128>}, {transform_indices = @transform_8, window_bounds = array<i64: 640, 128>}, {transform_indices = @transform_9, window_bounds = array<i64: 640, 128>}, {transform_indices = @transform_10, window_bounds = array<i64: 640, 8>}]} {
    %get3A = arith.constant 0 : index
    %get3A_0 = arith.constant 0 : index
    %get3A_1 = vector.load %arg3[%get3A, %get3A_0] : memref<640x128xf32, #tpu.memory_space<vmem>>, vector<640x1xf32>
    %get3A_2 = arith.constant 0 : index
    %get3A_3 = arith.constant 0 : index
    %get3A_4 = vector.load %arg4[%get3A_2, %get3A_3] : memref<640x128xf32, #tpu.memory_space<vmem>>, vector<640x1xf32>
    %add3A = arith.addf %get3A_1, %get3A_4 : vector<640x1xf32>
    %max3A = arith.constant 1.000000e+00 : f32
    %max3A_5 = vector.broadcast %max3A : f32 to vector<640x1xf32>
    %max3A_6 = arith.maximumf %add3A, %max3A_5 : vector<640x1xf32>
    %div3A = arith.constant 1.000000e+00 : f32
    %div3A_7 = vector.broadcast %div3A : f32 to vector<640x1xf32>
    %div3A_8 = arith.divf %div3A_7, %max3A_6 : vector<640x1xf32>
    %get3A_9 = arith.constant 0 : index
    %get3A_10 = arith.constant 0 : index
    %get3A_11 = vector.load %arg1[%get3A_9, %get3A_10] : memref<640x128xf32, #tpu.memory_space<vmem>>, vector<640x128xf32>
    %get3A_12 = arith.constant 0 : index
    %get3A_13 = arith.constant 0 : index
    %get3A_14 = vector.load %arg2[%get3A_12, %get3A_13] : memref<640x128xf32, #tpu.memory_space<vmem>>, vector<640x128xf32>
    %add3A_15 = arith.addf %get3A_11, %get3A_14 : vector<640x128xf32>
    %mul3A = vector.broadcast %div3A_8 : vector<640x1xf32> to vector<640x128xf32>
    %mul3A_16 = arith.mulf %add3A_15, %mul3A : vector<640x128xf32>
    %get3A_17 = arith.constant 0 : index
    %get3A_18 = arith.constant 0 : index
    %get3A_19 = vector.load %arg5[%get3A_17, %get3A_18] : memref<640x128xf32, #tpu.memory_space<vmem>>, vector<640x128xf32>
    %add3A_20 = arith.addf %mul3A_16, %get3A_19 : vector<640x128xf32>
    %max3A_21 = arith.constant 0.000000e+00 : f32
    %max3A_22 = vector.broadcast %max3A_21 : f32 to vector<640x128xf32>
    %max3A_23 = arith.maximumf %add3A_20, %max3A_22 : vector<640x128xf32>
    %get3A_24 = arith.constant 0 : index
    %get3A_25 = arith.constant 0 : index
    %get3A_26 = vector.load %arg6[%get3A_24, %get3A_25] : memref<128x128xf32, #tpu.memory_space<vmem>>, vector<128x128xf32>
    %dot_general3A = arith.constant dense<0.000000e+00> : vector<640x128xf32>
    %dot_general3A_27 = tpu.matmul %max3A_23, %get3A_26, %dot_general3A {dimension_numbers = #tpu.dot_dimension_numbers<[1], [0], [0], [1], [0, 0, 1, 1], [], []>, transpose_lhs_hint = false} : vector<640x128xf32>, vector<128x128xf32>, vector<640x128xf32> -> vector<640x128xf32>
    %swap3A = arith.constant 0 : index
    %swap3A_28 = arith.constant 0 : index
    %swap3A_29 = vector.load %arg9[%swap3A, %swap3A_28] : memref<640x128xf32, #tpu.memory_space<vmem>>, vector<640x128xf32>
    tpu.vector_store %arg9[%swap3A, %swap3A_28], %dot_general3A_27 {strides = array<i32>} : memref<640x128xf32, #tpu.memory_space<vmem>>, vector<640x128xf32>,
    %get3A_30 = arith.constant 0 : index
    %get3A_31 = arith.constant 0 : index
    %get3A_32 = vector.load %arg7[%get3A_30, %get3A_31] : memref<128x128xf32, #tpu.memory_space<vmem>>, vector<128x128xf32>
    %dot_general3A_33 = arith.constant dense<0.000000e+00> : vector<640x128xf32>
    %dot_general3A_34 = tpu.matmul %max3A_23, %get3A_32, %dot_general3A_33 {dimension_numbers = #tpu.dot_dimension_numbers<[1], [0], [0], [1], [0, 0, 1, 1], [], []>, transpose_lhs_hint = false} : vector<640x128xf32>, vector<128x128xf32>, vector<640x128xf32> -> vector<640x128xf32>
    %get3A_35 = arith.constant 0 : index
    %get3A_36 = arith.constant 0 : index
    %get3A_37 = vector.load %arg8[%get3A_35, %get3A_36] : memref<1x128xf32, #tpu.memory_space<vmem>>, vector<1x128xf32>
    %add3A_38 = vector.broadcast %get3A_37 : vector<1x128xf32> to vector<640x128xf32>
    %add3A_39 = arith.addf %dot_general3A_34, %add3A_38 : vector<640x128xf32>
    %swap3A_40 = arith.constant 0 : index
    %swap3A_41 = arith.constant 0 : index
    %swap3A_42 = vector.load %arg10[%swap3A_40, %swap3A_41] : memref<640x128xf32, #tpu.memory_space<vmem>>, vector<640x128xf32>
    tpu.vector_store %arg10[%swap3A_40, %swap3A_41], %add3A_39 {strides = array<i32>} : memref<640x128xf32, #tpu.memory_space<vmem>>, vector<640x128xf32>,
    %broadcast_in_dim3A = vector.shape_cast %div3A_8 : vector<640x1xf32> to vector<640x1xf32>
    %broadcast_in_dim3A_43 = vector.broadcast %broadcast_in_dim3A : vector<640x1xf32> to vector<640x8xf32>
    %swap3A_44 = arith.constant 0 : index
    %swap3A_45 = arith.constant 0 : index
    %swap3A_46 = vector.load %arg11[%swap3A_44, %swap3A_45] : memref<640x8xf32, #tpu.memory_space<vmem>>, vector<640x8xf32>
    tpu.vector_store %arg11[%swap3A_44, %swap3A_45], %broadcast_in_dim3A_43 {strides = array<i32>} : memref<640x8xf32, #tpu.memory_space<vmem>>, vector<640x8xf32>,
    return
  }
  func.func @transform_0(%arg0: i32) -> (i32, i32) {
    %c0_i32 = arith.constant 0 : i32
    %c0_i32_0 = arith.constant 0 : i32
    return %arg0, %c0_i32 : i32, i32
  }
  func.func @transform_1(%arg0: i32) -> (i32, i32) {
    %c0_i32 = arith.constant 0 : i32
    %c0_i32_0 = arith.constant 0 : i32
    return %arg0, %c0_i32 : i32, i32
  }
  func.func @transform_2(%arg0: i32) -> (i32, i32) {
    %c0_i32 = arith.constant 0 : i32
    %c0_i32_0 = arith.constant 0 : i32
    return %arg0, %c0_i32 : i32, i32
  }
  func.func @transform_3(%arg0: i32) -> (i32, i32) {
    %c0_i32 = arith.constant 0 : i32
    %c0_i32_0 = arith.constant 0 : i32
    return %arg0, %c0_i32 : i32, i32
  }
  func.func @transform_4(%arg0: i32) -> (i32, i32) {
    %c0_i32 = arith.constant 0 : i32
    %c0_i32_0 = arith.constant 0 : i32
    return %arg0, %c0_i32 : i32, i32
  }
  func.func @transform_5(%arg0: i32) -> (i32, i32) {
    %c0_i32 = arith.constant 0 : i32
    %c0_i32_0 = arith.constant 0 : i32
    %c0_i32_1 = arith.constant 0 : i32
    return %c0_i32, %c0_i32_0 : i32, i32
  }
  func.func @transform_6(%arg0: i32) -> (i32, i32) {
    %c0_i32 = arith.constant 0 : i32
    %c0_i32_0 = arith.constant 0 : i32
    %c0_i32_1 = arith.constant 0 : i32
    return %c0_i32, %c0_i32_0 : i32, i32
  }
  func.func @transform_7(%arg0: i32) -> (i32, i32) {
    %c0_i32 = arith.constant 0 : i32
    %c0_i32_0 = arith.constant 0 : i32
    %c0_i32_1 = arith.constant 0 : i32
    return %c0_i32, %c0_i32_0 : i32, i32
  }
  func.func @transform_8(%arg0: i32) -> (i32, i32) {
    %c0_i32 = arith.constant 0 : i32
    %c0_i32_0 = arith.constant 0 : i32
    return %arg0, %c0_i32 : i32, i32
  }
  func.func @transform_9(%arg0: i32) -> (i32, i32) {
    %c0_i32 = arith.constant 0 : i32
    %c0_i32_0 = arith.constant 0 : i32
    return %arg0, %c0_i32 : i32, i32
  }
  func.func @transform_10(%arg0: i32) -> (i32, i32) {
    %c0_i32 = arith.constant 0 : i32
    %c0_i32_0 = arith.constant 0 : i32
    return %arg0, %c0_i32 : i32, i32
  }
}

module attributes {stable_mosaic.version = 14 : i64} {
  func.func @_tc_out_body(%arg0: i32, %arg1: memref<640x128xf32, #tpu.memory_space<vmem>>, %arg2: memref<640x128xf32, #tpu.memory_space<vmem>>, %arg3: memref<640x8xf32, #tpu.memory_space<vmem>>, %arg4: memref<640x128xf32, #tpu.memory_space<vmem>>, %arg5: memref<640x128xf32, #tpu.memory_space<vmem>>) attributes {dimension_semantics = [#tpu.dimension_semantics<arbitrary>], iteration_bounds = array<i64: 16>, scalar_prefetch = 0 : i64, scratch_operands = 0 : i64, tpu.core_type = #tpu.core_type<tc>, window_params = [{transform_indices = @transform_0, window_bounds = array<i64: 640, 128>}, {transform_indices = @transform_1, window_bounds = array<i64: 640, 128>}, {transform_indices = @transform_2, window_bounds = array<i64: 640, 8>}, {transform_indices = @transform_3, window_bounds = array<i64: 640, 128>}, {transform_indices = @transform_4, window_bounds = array<i64: 640, 128>}]} {
    %get3A = arith.constant 0 : index
    %get3A_0 = arith.constant 0 : index
    %get3A_1 = vector.load %arg3[%get3A, %get3A_0] : memref<640x8xf32, #tpu.memory_space<vmem>>, vector<640x8xf32>
    %slice3A = vector.extract_strided_slice %get3A_1 {offsets = [0, 0], sizes = [640, 1], strides = [1, 1]} : vector<640x8xf32> to vector<640x1xf32>
    %get3A_2 = arith.constant 0 : index
    %get3A_3 = arith.constant 0 : index
    %get3A_4 = vector.load %arg1[%get3A_2, %get3A_3] : memref<640x128xf32, #tpu.memory_space<vmem>>, vector<640x128xf32>
    %get3A_5 = arith.constant 0 : index
    %get3A_6 = arith.constant 0 : index
    %get3A_7 = vector.load %arg2[%get3A_5, %get3A_6] : memref<640x128xf32, #tpu.memory_space<vmem>>, vector<640x128xf32>
    %add3A = arith.addf %get3A_4, %get3A_7 : vector<640x128xf32>
    %mul3A = vector.broadcast %slice3A : vector<640x1xf32> to vector<640x128xf32>
    %mul3A_8 = arith.mulf %add3A, %mul3A : vector<640x128xf32>
    %get3A_9 = arith.constant 0 : index
    %get3A_10 = arith.constant 0 : index
    %get3A_11 = vector.load %arg4[%get3A_9, %get3A_10] : memref<640x128xf32, #tpu.memory_space<vmem>>, vector<640x128xf32>
    %add3A_12 = arith.addf %mul3A_8, %get3A_11 : vector<640x128xf32>
    %swap3A = arith.constant 0 : index
    %swap3A_13 = arith.constant 0 : index
    %swap3A_14 = vector.load %arg5[%swap3A, %swap3A_13] : memref<640x128xf32, #tpu.memory_space<vmem>>, vector<640x128xf32>
    tpu.vector_store %arg5[%swap3A, %swap3A_13], %add3A_12 {strides = array<i32>} : memref<640x128xf32, #tpu.memory_space<vmem>>, vector<640x128xf32>,
    return
  }
  func.func @transform_0(%arg0: i32) -> (i32, i32) {
    %c0_i32 = arith.constant 0 : i32
    %c0_i32_0 = arith.constant 0 : i32
    return %arg0, %c0_i32 : i32, i32
  }
  func.func @transform_1(%arg0: i32) -> (i32, i32) {
    %c0_i32 = arith.constant 0 : i32
    %c0_i32_0 = arith.constant 0 : i32
    return %arg0, %c0_i32 : i32, i32
  }
  func.func @transform_2(%arg0: i32) -> (i32, i32) {
    %c0_i32 = arith.constant 0 : i32
    %c0_i32_0 = arith.constant 0 : i32
    return %arg0, %c0_i32 : i32, i32
  }
  func.func @transform_3(%arg0: i32) -> (i32, i32) {
    %c0_i32 = arith.constant 0 : i32
    %c0_i32_0 = arith.constant 0 : i32
    return %arg0, %c0_i32 : i32, i32
  }
  func.func @transform_4(%arg0: i32) -> (i32, i32) {
    %c0_i32 = arith.constant 0 : i32
    %c0_i32_0 = arith.constant 0 : i32
    return %arg0, %c0_i32 : i32, i32
  }
}

</mosaic_0001>

<sc_bundles>
// kernel: kernel.11.cloned.1.call-start
scs
__scs_entry_jumppad:
0x0: {  	(pc) =	sbr.rel $0x88, $3  }
0x1: {  	(tag) =	ssettag $0x0;
	lr =	simm.s32 $0x1  }
0x2: {  	[smem:$0x3F99] =	sst lr;
	_ =	strace $0xD0000000  }
0x3: {  	_ = 	snop  }
0x4: {  	_ = 	snop  }
0x5: {  	_ = 	snop  }
0x6: {  	_ = 	snop  }
0x7: {  	_ = 	snop  }
__scs_overlays_trampoline_lowered:
0x8: {  	[smem:$0x3FA8] =	sst s0  }
0x9: {  	[smem:$0x3FA9] =	sst s1  }
0xa: {  	[smem:$0x3FAA] =	sst s2  }
0xb: {  	[smem:$0x3FAB] =	sst s3  }
0xc: {  	[smem:$0x3FAC] =	sst s4  }
0xd: {  	[smem:$0x3FAD] =	sst s5  }
0xe: {  	[smem:$0x3FAE] =	sst s6  }
0xf: {  	[smem:$0x3FAF] =	sst s7  }
0x10: {  	[smem:$0x3FB0] =	sst s8  }
0x11: {  	[smem:$0x3FB1] =	sst s9;
	s0 =	simm.s32 @!p0 $0x0  }
0x12: {  	s1 =	sld [smem:$0x3F97];
	s0 =	simm.s32 @p0 $0x1  }
0x13: {  	[smem:$0x3FB2] =	sst s0;
	s0 =	simm.s32 @!p1 $0x0  }
0x14: {  	s2 =	sld [smem:$0x3F96];
	s0 =	simm.s32 @p1 $0x1  }
0x15: {  	[smem:$0x3FB3] =	sst s0;
	s0 =	simm.s32 @!p2 $0x0  }
0x16: {  	s3 =	sld [smem:$0x3FDB];
	s0 =	simm.s32 @p2 $0x1  }
0x17: {  	s4 =	simm.s32 $0x1BF5;
	[smem:$0x3FB5] =	sst s0  }
0x18: {  	s0 =	sld [smem:$0x3F98];
	_ =	swait.ge [sflag:s4], $0x0  }
0x19: {  	s7 =	sld [smem:$0x3F99]  }
0x1a: {  	s8 =	sadd.s32 $0xFFFFE003, lr  }
0x1b: {  	s9 =	sadd.s32 $0xFFFFFEF7, lr;
	s5 =	simm.s32 $0xFFFFFFFF;
	p2 =	slt.u32 s8, $0xFFFFF086  }
0x1c: {  	p1 =	slt.u32 s9, $0xF7A;
	s5 =	simm.s32 @!p2 $0x0  }
0x1d: {  	s5 =	simm.s32 @p1 $0x1;
	p0 =	seq.s32 s7, s2  }
0x1e: {  	s7 =	smul.u32 @!p0 $0xF7A, s2;
	p2 =	seq.s32 @!p0 s5, $0x0  }
0x1f: {  	s9 =	smul.u32 $0xF7A, s1;
	s8 =	simm.s32 @!p0 $0x1BF5;
	p2 =	por !p2, p0  }
0x20: {  	[sflag:s8] =	ssyncset.s32 @!p0 $0xFFFFF086;
	s6 =	sadd.s32 @!p0 s3, s7;
	s7 =	simm.s32 @!p0 $0x108  }
0x21: {  	s3 =	sadd.s32 s3, s9;
	s6 =	sadd.s32 @!p0 $0x88, s6;
	s7 =	simm.s32 @p2 $0x1082  }
0x22: {  	[simem:s7], [sflag:s8] =	dma.local @!p0 [hbm:s6], $0xF7A  }
0x23: {  	s9 =	sor.u32 $0xD0000000, s2;
	s6 =	simm.s32 $0x108;
	_ =	swait.ge @!p0 [sflag:s8], $0x0  }
0x24: {  	s3 =	sadd.s32 $0x88, s3;
	s6 =	simm.s32 @!p1 $0x1082;
	[sflag:s4] =	ssyncset.s32 $0xFFFFF086  }
0x25: {  	[simem:s6], [sflag:s4] =	dma.local [hbm:s3], $0xF7A  }
0x26: {  	[smem:$0x3F99] =	sst s1;
	(tag) =	ssettag s2;
	_ =	strace s9  }
0x27: {  	s1 =	sld [smem:$0x3FA9]  }
0x28: {  	s2 =	sld [smem:$0x3FAA]  }
0x29: {  	s4 =	sld [smem:$0x3FAC]  }
0x2a: {  	p0 =	seq.s32 s5, $0x0;
	s5 =	sld [smem:$0x3FAD]  }
0x2b: {  	s6 =	sld [smem:$0x3FAE]  }
0x2c: {  	s7 =	sld [smem:$0x3FAF]  }
0x2d: {  	s3 =	simm.s32 $0x108;
	s8 =	sld [smem:$0x3FB0]  }
0x2e: {  	s3 =	simm.s32 @!p0 $0x1082;
	s9 =	sld [smem:$0x3FB1]  }
0x2f: {  	lr =	sadd.s32 s0, s3;
	s0 =	sld [smem:$0x3FA8]  }
0x30: {  	s3 =	sld [smem:$0x3FAB]  }
0x31: {  	[smem:$0x3FB4] =	sst s10  }
0x32: {  	s10 =	sld [smem:$0x3FB2];
	_ =	sdelay $0x3  }
0x33: {  	p0 =	seq.s32 s10, $0x1;
	s10 =	sld [smem:$0x3FB4];
	_ =	sdelay $0x3  }
0x34: {  	[smem:$0x3FB4] =	sst s10  }
0x35: {  	s10 =	sld [smem:$0x3FB3];
	_ =	sdelay $0x3  }
0x36: {  	p1 =	seq.s32 s10, $0x1;
	s10 =	sld [smem:$0x3FB4];
	_ =	sdelay $0x3  }
0x37: {  	[smem:$0x3FB4] =	sst s10  }
0x38: {  	s10 =	sld [smem:$0x3FB5]  }
0x39: {  	_ = 	snop;
	(pc) =	sbr.ind lr, $3  }
0x3a: {  	_ = 	snop  }
0x3b: {  	_ = 	snop  }
0x3c: {  	p2 =	seq.s32 s10, $0x1;
	s10 =	sld [smem:$0x3FB4]  }
0x3d: {  	_ =	shalt  }
0x3e: {  	_ =	shalt  }
0x3f: {  	_ =	shalt  }
0x40: {  	_ =	shalt  }
0x41: {  	_ =	shalt  }
0x42: {  	_ =	shalt  }
0x43: {  	_ =	shalt  }
0x44: {  	_ =	shalt  }
0x45: {  	_ =	shalt  }
0x46: {  	_ =	shalt  }
0x47: {  	_ =	shalt  }
0x48: {  	_ =	shalt  }
0x49: {  	_ =	shalt  }
0x4a: {  	_ =	shalt  }
0x4b: {  	_ =	shalt  }
0x4c: {  	_ =	shalt  }
0x4d: {  	_ =	shalt  }
0x4e: {  	_ =	shalt  }
0x4f: {  	_ =	shalt  }
0x50: {  	_ =	shalt  }
0x51: {  	_ =	shalt  }
0x52: {  	_ =	shalt  }
0x53: {  	_ =	shalt  }
0x54: {  	_ =	shalt  }
0x55: {  	_ =	shalt  }
0x56: {  	_ =	shalt  }
0x57: {  	_ =	shalt  }
0x58: {  	_ =	shalt  }
0x59: {  	_ =	shalt  }
0x5a: {  	_ =	shalt  }
0x5b: {  	_ =	shalt  }
0x5c: {  	_ =	shalt  }
0x5d: {  	_ =	shalt  }
0x5e: {  	_ =	shalt  }
0x5f: {  	_ =	shalt  }
0x60: {  	_ =	shalt  }
0x61: {  	_ =	shalt  }
0x62: {  	_ =	shalt  }
0x63: {  	_ =	shalt  }
0x64: {  	_ =	shalt  }
0x65: {  	_ =	shalt  }
0x66: {  	_ =	shalt  }
0x67: {  	_ =	shalt  }
0x68: {  	_ =	shalt  }
0x69: {  	_ =	shalt  }
0x6a: {  	_ =	shalt  }
0x6b: {  	_ =	shalt  }
0x6c: {  	_ =	shalt  }
0x6d: {  	_ =	shalt  }
0x6e: {  	_ =	shalt  }
0x6f: {  	_ =	shalt  }
0x70: {  	_ =	shalt  }
0x71: {  	_ =	shalt  }
0x72: {  	_ =	shalt  }
0x73: {  	_ =	shalt  }
0x74: {  	_ =	shalt  }
0x75: {  	_ =	shalt  }
0x76: {  	_ =	shalt  }
0x77: {  	_ =	shalt  }
0x78: {  	_ =	shalt  }
0x79: {  	_ =	shalt  }
0x7a: {  	_ =	shalt  }
0x7b: {  	_ =	shalt  }
0x7c: {  	_ =	shalt  }
0x7d: {  	_ =	shalt  }
0x7e: {  	_ =	shalt  }
0x7f: {  	_ =	shalt  }
0x80: {  	_ =	shalt  }
0x81: {  	_ =	shalt  }
0x82: {  	_ =	shalt  }
0x83: {  	_ =	shalt  }
0x84: {  	_ =	shalt  }
0x85: {  	_ =	shalt  }
0x86: {  	_ =	shalt  }
0x87: {  	_ =	shalt  }
.Lfunc_end0:
.L_simem_size_0:
called_computation.1_lowered:
.L_overlay_start_0:
0x88: {  	s2 =	sld [smem:$0x3FD9]  }
0x89: {  	s3 =	sld [smem:$0x3FFE];
	_ =	sdelay $0x1  }
0x8a: {  	s1 =	srdreg.scid  }
0x8b: {  	s0 =	sand.u32 $0x1, s1  }
0x8c: {  	s17 =	sshll.u32 s0, $0xA;
	s2 =	sadd.s32 s3, s2  }
0x8d: {  	s2 =	sadd.s32 s2, s17  }
0x8e: {  	[smem:$0x3FC0] =	sst s2  }
0x8f: {  	_ = 	snop  }
0x90: {  	s2 =	sld [smem:$0x3FD0];
	(tm) =	ssettm $0x1  }
0x91: {  	s18 =	sld [smem:$0x3FFB];
	_ =	sdelay $0x3  }
0x92: {  	_ =	strace s18  }
0x93: {  	s3 =	sld [smem:$0x3FFC];
	_ =	sdelay $0x3  }
0x94: {  	_ =	strace s3  }
0x95: {  	s3 =	sld [smem:$0x3FFD];
	_ =	sdelay $0x3  }
0x96: {  	_ =	strace s3  }
0x97: {  	_ =	strace $0x8FFFFFFF  }
0x98: {  	s19 =	sld [smem:$0x3FDB];
	_ =	sdelay $0x1  }
0x99: {  	s4 =	simm.s32 $_scs_section_size  }
0x9a: {  	s5 =	simm.s32 $_size__tile_overlayer_lowered;
	s6 =	simm.s32 $_tile_overlayer_lowered  }
0x9b: {  	s22 =	simm.s32 $0x1BFF;
	s21 =	sshll.u32 s6, $0x1;
	s3 =	sadd.s32 s4, s19  }
0x9c: {  	s7 =	simm.s32 $0x0;
	s20 =	sshll.u32 s5, $0x1;
	s5 =	sadd.s32 s21, s3  }
0x9d: {  	[timem:s7], [sflag:s22] =	dma.local [hbm:s5], s20  }
0x9e: {  	_ =	swait.ge [sflag:s22], s20  }
0x9f: {  	s4 =	ssub.s32 $0x0, s20;
	[sflag:s22] =	ssyncset.done $0x0  }
0xa0: {  	[sflag:s22] =	ssyncadd.s32 s4;
	_ =	sdelay $0x1  }
0xa1: {  	s23 =	simm.s32 $0x1B8B  }
0xa2: {  	_ =	swait.ge [sflag:s23], $0x1  }
0xa3: {  	[sflag:s23] =	ssyncset.done $0x0  }
0xa4: {  	s25 =	simm.s32 $0x1B8E;
	s24 =	sld [smem:$0x3FFE];
	[sflag:s23] =	ssyncadd.s32 $0xFFFFFFFF  }
0xa5: {  	s26 =	simm.s32 $execute0_lowered;
	[smem:$0x3FD2] =	sst s25  }
0xa6: {  	s5 =	sshll.u32 s26, $0x1;
	_ =	strace $0x80000046;
	[dreg:$0x1] =	wrdreg $0xFFFFFFFF  }
0xa7: {  	s28 =	simm.s32 $_size_execute0_lowered;
	s3 =	sadd.s32 s3, s5;
	[dreg:$0x0] =	wrdreg $0x0  }
0xa8: {  	s5 =	sshll.u32 s28, $0x1;
	[dreg:$0x2] =	wrdreg s3  }
0xa9: {  	[dreg:$0x3] =	wrdreg s5  }
0xaa: {  	[dreg:$0x4] =	wrdreg $0xC0  }
0xab: {  	_ =	task [dreg:s7], $0x5FFFF  }
0xac: {  	[dreg:$0x1] =	wrdreg $0xFFFFFFFF  }
0xad: {  	[dreg:$0x0] =	wrdreg $0x60  }
0xae: {  	[dreg:$0x2] =	wrdreg s24  }
0xaf: {  	[dreg:$0x3] =	wrdreg s2  }
0xb0: {  	[dreg:$0x4] =	wrdreg $0x9F000  }
0xb1: {  	[dreg:$0x5] =	wrdreg $0xA  }
0xb2: {  	_ =	task.clear_ibuf [dreg:s7], $0x6FFFF;
	_ =	strace $0x90000046  }
0xb3: {  	s29 =	simm.s32 $0xA;
	_ =	strace $0x80000048  }
0xb4: {  	_ =	swait.ge [sflag:s29], $0x1  }
0xb5: {  	[sflag:s29] =	ssyncadd.s32 $0xFFFFFFFF  }
0xb6: {  	_ =	strace $0x90000048  }
0xb7: {  	_ =	sfence  }
0xb8: {  	s30 =	sld [smem:$0x0];
	_ =	sdelay $0x2  }
0xb9: {  	s31 =	sshll.u32 s1, $0xD;
	s1 =	sshrl.u32 s1, $0x2  }
0xba: {  	s3 =	sand.u32 $0x4000, s31;
	s1 =	sadd.s32 s1, s30  }
0xbb: {  	s0 =	sor.u32 s3, s0;
	s1 =	sshll.u32 s1, $0x11  }
0xbc: {  	s0 =	sor.u32 s1, s0  }
0xbd: {  	s0 =	sadd.s32 $0x8F2B, s0  }
0xbe: {  	[sflag:s0] =	ssyncadd.remote.s32 $0x1  }
0xbf: {  	_ =	sfence.sel $0xFFFF  }
0xc0: {  	[dreg:$0x0] =	wrdreg $0xFFFFFFFF;
	(pc) =	sbr.abs _section_cstart, $3  }
0xc1: {  	[dreg:$0x1] =	wrdreg $0xFFFFFFFF  }
0xc2: {  	_ =	task.clear_ibuf [dreg:s7], $0x2FFFF;
	_ =	strace $0x9FFFFFFF  }
0xc3: {  	(tm) =	ssettm $0x7FFFFFFF  }
tec
execute0_lowered:
.L_overlay_start_1:
0x0: {  	(tag) =	ssettag $0x1  }
0x1: {  	s0 =	rddreg [dreg:$0x0]  }
0x2: {  	s1 =	rddreg [dreg:$0x1];
	s13 =	stileid.u32  }
0x3: {  	s3 =	srdreg.scid;
	s2 =	rddreg [dreg:$0x2]  }
0x4: {  	s28 =	simm.s32 $0x180;
	s29 =	simm.s32 $0x3;
	s4 =	smul.u32 $0x14000, s13  }
0x5: {  	s30 =	simm.s32 $0x280;
	s5 =	sand.u32 $0x1, s3;
	s10 =	smul.u32 $0x50000, s13  }
0x6: {  	s9 =	sshll.u32 s13, $0x1;
	s18 =	sshll.u32 s13, $0x6;
	s13 =	smul.u32 $0xC800, s13  }
0x7: {  	s31 =	simm.s32 $0x4;
	s3 =	simm.s32 $0x0;
	s6 =	smul.u32 $0x140000, s5  }
0x8: {  	[smem:$0x7FF] =	sst s3;
	s8 =	ssub.s32 $0x2, s5;
	s9 =	sor.u32 s5, s9  }
0x9: {  	s21 =	smul.u32 $0x6400, s5;
	_ =	strace $0x80000047;
	s7 =	sshrl.u32 s4, $0x3  }
0xa: {  	s15 =	sshrl.u32 s8, $0x1;
	s16 =	sshrl.u32 s10, $0x2;
	s9 =	smul.u32 $0x6400, s9  }
0xb: {  	s6 =	sadd.s32 s4, s6;
	s4 =	sadd.s32 $0x2800, s0;
	s7 =	sadd.s32 s7, s0  }
0xc: {  	s8 =	ssub.s32 s8, s15;
	s16 =	sadd.s32 s16, s2;
	s6 =	sshrl.u32 s6, $0x3  }
0xd: {  	s17 =	sadd.s32 $0x52800, s7;
	s11 =	sor.u32 $0x100, s9;
	s19 =	sshrl.u32 s9, $0x3  }
0xe: {  	s12 =	sor.u32 $0x200, s9;
	s22 =	smax.u32 s8, $0x1;
	s16 =	sshrl.u32 s16, $0x3  }
0xf: {  	s0 =	sadd.s32 s6, s0;
	[dreg:$0x4] =	wrdreg s17;
	s6 =	sor.u32 $0x1C07, s18  }
0x10: {  	s7 =	sadd.s32 s1, s19;
	[dreg:$0x7] =	wrdreg s22;
	s23 =	sshrl.u32 s11, $0x3  }
0x11: {  	s24 =	sshrl.u32 s12, $0x3;
	s17 =	simm.s32 $0x7;
	s18 =	simm.s32 $0x64  }
0x12: {  	s19 =	simm.s32 $0x300;
	s22 =	simm.s32 $0x200;
	s20 =	sadd.s32 $0xC60, s7  }
0x13: {  	s0 =	sadd.s32 $0x7A800, s0;
	s11 =	sadd.s32 s1, s23;
	s12 =	sadd.s32 s1, s24  }
0x14: {  	s23 =	simm.s32 $0x6B00;
	s24 =	simm.s32 $0x1;
	[dreg:$0x5] =	wrdreg s20  }
0x15: {  	[dreg:$0x6] =	wrdreg s0;
	s0 =	sadd.s32 s21, s13;
	s20 =	simm.s32 $0x100  }
0x16: {  	s21 =	simm.s32 $0x3700;
	s25 =	sadd.s32 $0x500, s0;
	s26 =	sadd.s32 $0x400, s0  }
0x17: {  	s0 =	sor.u32 $0x300, s0;
	s5 =	sshrl.u32 s25, $0x3;
	s8 =	sshrl.u32 s26, $0x3  }
0x18: {  	s0 =	sshrl.u32 s0, $0x3;
	s25 =	simm.s32 $0x80;
	s26 =	simm.s32 $0x2  }
0x19: {  	s13 =	sadd.s32 s5, s1;
	s14 =	sadd.s32 s8, s1;
	s15 =	sadd.s32 s0, s1  }
0x1a: {  	s1 =	simm.s32 $0x5;
	s0 =	simm.s32 $0x6;
	s5 =	simm.s32 $0x0  }
.LBB2_1:
0x1b: {  	s8 =	rddreg [dreg:$0x4]  }
0x1c: {  	[spmem:s16], [sflag:s6] =	dma.local [hbm:s8], $0x2800  }
0x1d: {  	_ =	swait.ge [sflag:s17], $0x2800  }
0x1e: {  	[sflag:s17] =	ssyncset.done $0x0  }
0x1f: {  	[sflag:s17] =	ssyncadd.s32 $0xFFFFD800  }
0x20: {  	[bflag:$0x0] =	sbarrier.arrive $0xFFFF  }
0x21: {  	[tilespmem:s3], [sflag:$0x7] =	stream.linear.gather [hbm4b:s7+s3], $0x100, $0x38;
	[tilespmem:$0x1DF00] =	vst v63  }
0x22: {  	_ =	swait.ge [sflag:s17], $0x100  }
0x23: {  	[sflag:s17] =	ssyncset.done $0x0  }
0x24: {  	[sflag:s17] =	ssyncadd.s32 $0xFFFFFF00  }
0x25: {  	[tilespmem:s19], [sflag:$0x1] =	stream.indirect.gather [hbm4b:s4+s18], $0x80, s3, s18, $0xb8;
	[tilespmem:$0x1DF00] =	vst v63  }
0x26: {  	_ = 	snop  }
0x27: {  	[tilespmem:s20], [sflag:$0x7] =	stream.linear.gather [hbm4b:s11+s3], $0x100, $0x38;
	[tilespmem:$0x1DF00] =	vst v63  }
0x28: {  	_ =	swait.ge [sflag:s17], $0x100  }
0x29: {  	[sflag:s17] =	ssyncset.done $0x0  }
0x2a: {  	[sflag:s17] =	ssyncadd.s32 $0xFFFFFF00  }
0x2b: {  	[tilespmem:s21], [sflag:$0x2] =	stream.indirect.gather [hbm4b:s4+s18], $0x80, s20, s18, $0xb8;
	[tilespmem:$0x1DF00] =	vst v63  }
0x2c: {  	_ = 	snop  }
0x2d: {  	[tilespmem:s22], [sflag:$0x7] =	stream.linear.gather [hbm4b:s12+s3], $0x100, $0x38;
	[tilespmem:$0x1DF00] =	vst v63  }
0x2e: {  	_ =	swait.ge [sflag:s17], $0x100  }
0x2f: {  	[sflag:s17] =	ssyncset.done $0x0  }
0x30: {  	[sflag:s17] =	ssyncadd.s32 $0xFFFFFF00  }
0x31: {  	[tilespmem:s23], [sflag:$0x3] =	stream.indirect.gather [hbm4b:s4+s18], $0x80, s22, s18, $0xb8;
	[tilespmem:$0x1DF00] =	vst v63  }
0x32: {  	_ =	swait.ge [sflag:s24], $0x3200  }
0x33: {  	[sflag:s24] =	ssyncset.done $0x0  }
0x34: {  	[sflag:s24] =	ssyncadd.s32 $0xFFFFCE00  }
0x35: {  	[spmem:s2] =	stream.indirect.scatter.add.f32 [tilespmem:s19], [sflag:$0x4], $0x80, s25, s18, $0xb8;
	[tilespmem:$0x1DF00] =	vst v63  }
0x36: {  	_ =	swait.ge [sflag:s26], $0x3200  }
0x37: {  	[sflag:s26] =	ssyncset.done $0x0  }
0x38: {  	[sflag:s26] =	ssyncadd.s32 $0xFFFFCE00  }
0x39: {  	[spmem:s2] =	stream.indirect.scatter.add.f32 [tilespmem:s21], [sflag:$0x5], $0x80, s28, s18, $0xb8;
	[tilespmem:$0x1DF00] =	vst v63  }
0x3a: {  	_ =	swait.ge [sflag:s29], $0x3200  }
0x3b: {  	[sflag:s29] =	ssyncset.done $0x0  }
0x3c: {  	[sflag:s29] =	ssyncadd.s32 $0xFFFFCE00  }
0x3d: {  	[spmem:s2] =	stream.indirect.scatter.add.f32 [tilespmem:s23], [sflag:$0x6], $0x80, s30, s18, $0xb8;
	[tilespmem:$0x1DF00] =	vst v63  }
0x3e: {  	_ =	swait.ge [sflag:s31], $0x3200  }
0x3f: {  	[sflag:s31] =	ssyncset.done $0x0  }
0x40: {  	s10 =	sadd.s32 $0x0, s15;
	[sflag:s31] =	ssyncadd.s32 $0xFFFFCE00  }
0x41: {  	[tilespmem:s3], [sflag:$0x7] =	stream.linear.gather [hbm4b:s10+s3], $0x100, $0x38;
	[tilespmem:$0x1DF00] =	vst v63  }
0x42: {  	_ =	swait.ge [sflag:s17], $0x100  }
0x43: {  	[sflag:s17] =	ssyncset.done $0x0  }
0x44: {  	[sflag:s17] =	ssyncadd.s32 $0xFFFFFF00  }
0x45: {  	[tilespmem:s19], [sflag:$0x1] =	stream.indirect.gather [hbm4b:s4+s18], $0x80, s3, s18, $0xb8;
	[tilespmem:$0x1DF00] =	vst v63  }
0x46: {  	_ =	swait.ge [sflag:s1], $0x3200  }
0x47: {  	[sflag:s1] =	ssyncset.done $0x0  }
0x48: {  	s9 =	sadd.s32 $0x0, s14;
	[sflag:s1] =	ssyncadd.s32 $0xFFFFCE00  }
0x49: {  	[tilespmem:s20], [sflag:$0x7] =	stream.linear.gather [hbm4b:s9+s3], $0x100, $0x38;
	[tilespmem:$0x1DF00] =	vst v63  }
0x4a: {  	_ =	swait.ge [sflag:s17], $0x100  }
0x4b: {  	[sflag:s17] =	ssyncset.done $0x0  }
0x4c: {  	[sflag:s17] =	ssyncadd.s32 $0xFFFFFF00  }
0x4d: {  	[tilespmem:s21], [sflag:$0x2] =	stream.indirect.gather [hbm4b:s4+s18], $0x80, s20, s18, $0xb8;
	[tilespmem:$0x1DF00] =	vst v63  }
0x4e: {  	_ =	swait.ge [sflag:s0], $0x3200  }
0x4f: {  	[sflag:s0] =	ssyncset.done $0x0  }
0x50: {  	s10 =	sadd.s32 $0x0, s13;
	[sflag:s0] =	ssyncadd.s32 $0xFFFFCE00  }
0x51: {  	[tilespmem:s22], [sflag:$0x7] =	stream.linear.gather [hbm4b:s10+s3], $0x100, $0x38;
	[tilespmem:$0x1DF00] =	vst v63  }
0x52: {  	_ =	swait.ge [sflag:s17], $0x100  }
0x53: {  	[sflag:s17] =	ssyncset.done $0x0  }
0x54: {  	[sflag:s17] =	ssyncadd.s32 $0xFFFFFF00  }
0x55: {  	[tilespmem:s23], [sflag:$0x3] =	stream.indirect.gather [hbm4b:s4+s18], $0x80, s22, s18, $0xb8;
	[tilespmem:$0x1DF00] =	vst v63  }
0x56: {  	_ =	swait.ge [sflag:s24], $0x3200  }
0x57: {  	[sflag:s24] =	ssyncset.done $0x0  }
0x58: {  	[sflag:s24] =	ssyncadd.s32 $0xFFFFCE00  }
0x59: {  	[spmem:s2] =	stream.indirect.scatter.add.f32 [tilespmem:s19], [sflag:$0x4], $0x80, s25, s18, $0xb8;
	[tilespmem:$0x1DF00] =	vst v63  }
0x5a: {  	_ =	swait.ge [sflag:s26], $0x3200  }
0x5b: {  	[sflag:s26] =	ssyncset.done $0x0  }
0x5c: {  	[sflag:s26] =	ssyncadd.s32 $0xFFFFCE00  }
0x5d: {  	[spmem:s2] =	stream.indirect.scatter.add.f32 [tilespmem:s21], [sflag:$0x5], $0x80, s28, s18, $0xb8;
	[tilespmem:$0x1DF00] =	vst v63  }
0x5e: {  	_ =	swait.ge [sflag:s29], $0x3200  }
0x5f: {  	[sflag:s29] =	ssyncset.done $0x0  }
0x60: {  	s8 =	simm.s32 $0x60;
	[sflag:s29] =	ssyncadd.s32 $0xFFFFCE00  }
.LBB2_2:
0x61: {  	[spmem:s2] =	stream.indirect.scatter.add.f32 [tilespmem:s23], [sflag:$0x6], $0x80, s30, s18, $0xb8;
	[tilespmem:$0x1DF00] =	vst v63  }
0x62: {  	s9 =	smov.u32 s8  }
0x63: {  	p0 =	sne.s32 s8, $0xBA0;
	s8 =	sadd.s32 $0x60, s8;
	_ =	swait.ge [sflag:s31], $0x3200  }
0x64: {  	[sflag:s31] =	ssyncset.done $0x0  }
0x65: {  	s10 =	sadd.s32 s9, s15;
	[sflag:s31] =	ssyncadd.s32 $0xFFFFCE00  }
0x66: {  	[tilespmem:s3], [sflag:$0x7] =	stream.linear.gather [hbm4b:s10+s3], $0x100, $0x38;
	[tilespmem:$0x1DF00] =	vst v63  }
0x67: {  	_ =	swait.ge [sflag:s17], $0x100  }
0x68: {  	[sflag:s17] =	ssyncset.done $0x0  }
0x69: {  	[sflag:s17] =	ssyncadd.s32 $0xFFFFFF00  }
0x6a: {  	[tilespmem:s19], [sflag:$0x1] =	stream.indirect.gather [hbm4b:s4+s18], $0x80, s3, s18, $0xb8;
	[tilespmem:$0x1DF00] =	vst v63  }
0x6b: {  	_ =	swait.ge [sflag:s1], $0x3200  }
0x6c: {  	[sflag:s1] =	ssyncset.done $0x0  }
0x6d: {  	s10 =	sadd.s32 s9, s14;
	[sflag:s1] =	ssyncadd.s32 $0xFFFFCE00  }
0x6e: {  	[tilespmem:s20], [sflag:$0x7] =	stream.linear.gather [hbm4b:s10+s3], $0x100, $0x38;
	[tilespmem:$0x1DF00] =	vst v63  }
0x6f: {  	_ =	swait.ge [sflag:s17], $0x100  }
0x70: {  	[sflag:s17] =	ssyncset.done $0x0  }
0x71: {  	[sflag:s17] =	ssyncadd.s32 $0xFFFFFF00  }
0x72: {  	[tilespmem:s21], [sflag:$0x2] =	stream.indirect.gather [hbm4b:s4+s18], $0x80, s20, s18, $0xb8;
	[tilespmem:$0x1DF00] =	vst v63  }
0x73: {  	_ =	swait.ge [sflag:s0], $0x3200  }
0x74: {  	[sflag:s0] =	ssyncset.done $0x0  }
0x75: {  	s9 =	sadd.s32 s9, s13;
	[sflag:s0] =	ssyncadd.s32 $0xFFFFCE00  }
0x76: {  	[tilespmem:s22], [sflag:$0x7] =	stream.linear.gather [hbm4b:s9+s3], $0x100, $0x38;
	[tilespmem:$0x1DF00] =	vst v63  }
0x77: {  	_ =	swait.ge [sflag:s17], $0x100  }
0x78: {  	[sflag:s17] =	ssyncset.done $0x0  }
0x79: {  	[sflag:s17] =	ssyncadd.s32 $0xFFFFFF00  }
0x7a: {  	[tilespmem:s23], [sflag:$0x3] =	stream.indirect.gather [hbm4b:s4+s18], $0x80, s22, s18, $0xb8;
	[tilespmem:$0x1DF00] =	vst v63  }
0x7b: {  	_ =	swait.ge [sflag:s24], $0x3200  }
0x7c: {  	[sflag:s24] =	ssyncset.done $0x0  }
0x7d: {  	[sflag:s24] =	ssyncadd.s32 $0xFFFFCE00  }
0x7e: {  	[spmem:s2] =	stream.indirect.scatter.add.f32 [tilespmem:s19], [sflag:$0x4], $0x80, s25, s18, $0xb8;
	[tilespmem:$0x1DF00] =	vst v63  }
0x7f: {  	_ =	swait.ge [sflag:s26], $0x3200  }
0x80: {  	[sflag:s26] =	ssyncset.done $0x0  }
.Ltmp0:
0x81: {  	[sflag:s26] =	ssyncadd.s32 $0xFFFFCE00;
	(pc) =	sbr.rel @p0 .LBB2_2-.Ltmp0, $4  }
0x82: {  	[spmem:s2] =	stream.indirect.scatter.add.f32 [tilespmem:s21], [sflag:$0x5], $0x80, s28, s18, $0xb8;
	[tilespmem:$0x1DF00] =	vst v63  }
0x83: {  	_ =	swait.ge [sflag:s29], $0x3200  }
0x84: {  	[sflag:s29] =	ssyncset.done $0x0  }
0x85: {  	[sflag:s29] =	ssyncadd.s32 $0xFFFFCE00  }
0x86: {  	[spmem:s2] =	stream.indirect.scatter.add.f32 [tilespmem:s23], [sflag:$0x6], $0x80, s30, s18, $0xb8;
	[tilespmem:$0x1DF00] =	vst v63  }
0x87: {  	_ =	swait.ge [sflag:s31], $0x3200  }
0x88: {  	[sflag:s31] =	ssyncset.done $0x0  }
0x89: {  	s8 =	rddreg [dreg:$0x5];
	[sflag:s31] =	ssyncadd.s32 $0xFFFFCE00  }
0x8a: {  	[tilespmem:s3], [sflag:$0x7] =	stream.linear.gather [hbm4b:s8+s3], $0x100, $0x38;
	[tilespmem:$0x1DF00] =	vst v63  }
0x8b: {  	_ =	swait.ge [sflag:s17], $0x100  }
0x8c: {  	[sflag:s17] =	ssyncset.done $0x0  }
0x8d: {  	[sflag:s17] =	ssyncadd.s32 $0xFFFFFF00  }
0x8e: {  	[tilespmem:s19], [sflag:$0x1] =	stream.indirect.gather [hbm4b:s4+s18], $0x80, s3, s18, $0xb8;
	[tilespmem:$0x1DF00] =	vst v63  }
0x8f: {  	_ =	swait.ge [sflag:s24], $0x3200  }
0x90: {  	[sflag:s24] =	ssyncset.done $0x0  }
0x91: {  	[sflag:s24] =	ssyncadd.s32 $0xFFFFCE00  }
0x92: {  	[spmem:s2] =	stream.indirect.scatter.add.f32 [tilespmem:s19], [sflag:$0x4], $0x80, s25, s18, $0xb8;
	[tilespmem:$0x1DF00] =	vst v63  }
0x93: {  	_ =	swait.ge [sflag:s1], $0x3200  }
0x94: {  	[sflag:s1] =	ssyncset.done $0x0  }
0x95: {  	[sflag:s1] =	ssyncadd.s32 $0xFFFFCE00  }
0x96: {  	_ =	swait.ge [sflag:s0], $0x3200  }
0x97: {  	[sflag:s0] =	ssyncset.done $0x0  }
0x98: {  	[sflag:s0] =	ssyncadd.s32 $0xFFFFCE00  }
0x99: {  	_ =	swait.ge [sflag:s31], $0x3200  }
0x9a: {  	[sflag:s31] =	ssyncset.done $0x0  }
0x9b: {  	[sflag:s31] =	ssyncadd.s32 $0xFFFFCE00  }
0x9c: {  	[bflag:$0x0] =	sbarrier.arrive $0xFFFF  }
0x9d: {  	s9 =	rddreg [dreg:$0x6]  }
0x9e: {  	[hbm:s9], [sflag:s6] =	dma.local [spmem:s16], $0x2800  }
0x9f: {  	_ =	swait.ge [sflag:s17], $0x2800  }
0xa0: {  	s5 =	sadd.s32 $0x1, s5;
	s10 =	rddreg [dreg:$0x7]  }
0xa1: {  	p0 =	sne.s32 s5, s10  }
.Ltmp1:
0xa2: {  	_ = 	snop;
	(pc) =	sbr.rel @p0 .LBB2_1-.Ltmp1, $3  }
0xa3: {  	_ =	sdelay $0x1  }
0xa4: {  	[sflag:s17] =	ssyncset.done $0x0  }
0xa5: {  	[sflag:s17] =	ssyncadd.s32 $0xFFFFD800  }
0xa6: {  	_ =	sfence.sel $0x180000  }
0xa7: {  	[bflag:$0x0] =	sbarrier.arrive $0xFFFF  }
0xa8: {  	_ =	strace $0x90000047  }
0xa9: {  	s0 =	stileid.u32;
	[bflag:$0x2] =	sbarrier.arrive $0xFFFF  }
0xaa: {  	p0 =	sne.s32 s0, $0x0;
	s0 =	rddreg [dreg:$0x3]  }
0xab: {  	s0 =	sadd.s32 @!p0 $0x100000, s0  }
0xac: {  	[sflag:s0] =	ssyncadd.tile.s32 @!p0 $0x1;
	_ =	shalt  }
.Lfunc_end2:
_tile_overlayer_lowered:
.L_overlay_start_2:
0xad: {  	(tag) =	ssettag $0x2  }
0xae: {  	s0 =	rddreg [dreg:$0x0];
	s2 =	stileid.u32  }
0xaf: {  	s1 =	rddreg [dreg:$0x1];
	p0 =	sne.s32 s2, $0x0  }
0xb0: {  	s3 =	rddreg [dreg:$0x2];
	[bflag:$0x3] =	sbarrier.arrive $0xFFFF;
	s2 =	simm.s32 @!p0 $0x1C07  }
0xb1: {  	[timem:s3], [sflag:s2] =	dma.local @!p0 [hbm:s0], s1  }
0xb2: {  	s0 =	simm.s32 @!p0 $0x7  }
0xb3: {  	_ =	swait.ge @!p0 [sflag:s0], s1  }
0xb4: {  	s1 =	ssub.s32 @!p0 $0x0, s1;
	[sflag:s0] =	ssyncset.done @!p0 $0x0  }
0xb5: {  	[sflag:s0] =	ssyncadd.s32 @!p0 s1  }
0xb6: {  	[bflag:$0x3] =	sbarrier.arrive $0xFFFF  }
0xb7: {  	_ =	shalt  }

// kernel: kernel.14.cloned.1.call-start
scs
__scs_entry_jumppad:
0x0: {  	(pc) =	sbr.rel $0x88, $3  }
0x1: {  	(tag) =	ssettag $0x0;
	lr =	simm.s32 $0x1  }
0x2: {  	[smem:$0x3F99] =	sst lr;
	_ =	strace $0xD0000000  }
0x3: {  	_ = 	snop  }
0x4: {  	_ = 	snop  }
0x5: {  	_ = 	snop  }
0x6: {  	_ = 	snop  }
0x7: {  	_ = 	snop  }
__scs_overlays_trampoline_lowered:
0x8: {  	[smem:$0x3FA8] =	sst s0  }
0x9: {  	[smem:$0x3FA9] =	sst s1  }
0xa: {  	[smem:$0x3FAA] =	sst s2  }
0xb: {  	[smem:$0x3FAB] =	sst s3  }
0xc: {  	[smem:$0x3FAC] =	sst s4  }
0xd: {  	[smem:$0x3FAD] =	sst s5  }
0xe: {  	[smem:$0x3FAE] =	sst s6  }
0xf: {  	[smem:$0x3FAF] =	sst s7  }
0x10: {  	[smem:$0x3FB0] =	sst s8  }
0x11: {  	[smem:$0x3FB1] =	sst s9;
	s0 =	simm.s32 @!p0 $0x0  }
0x12: {  	s1 =	sld [smem:$0x3F97];
	s0 =	simm.s32 @p0 $0x1  }
0x13: {  	[smem:$0x3FB2] =	sst s0;
	s0 =	simm.s32 @!p1 $0x0  }
0x14: {  	s2 =	sld [smem:$0x3F96];
	s0 =	simm.s32 @p1 $0x1  }
0x15: {  	[smem:$0x3FB3] =	sst s0;
	s0 =	simm.s32 @!p2 $0x0  }
0x16: {  	s3 =	sld [smem:$0x3FDB];
	s0 =	simm.s32 @p2 $0x1  }
0x17: {  	s4 =	simm.s32 $0x1BF5;
	[smem:$0x3FB5] =	sst s0  }
0x18: {  	s0 =	sld [smem:$0x3F98];
	_ =	swait.ge [sflag:s4], $0x0  }
0x19: {  	s7 =	sld [smem:$0x3F99]  }
0x1a: {  	s8 =	sadd.s32 $0xFFFFE003, lr  }
0x1b: {  	s9 =	sadd.s32 $0xFFFFFEF7, lr;
	s5 =	simm.s32 $0xFFFFFFFF;
	p2 =	slt.u32 s8, $0xFFFFF086  }
0x1c: {  	p1 =	slt.u32 s9, $0xF7A;
	s5 =	simm.s32 @!p2 $0x0  }
0x1d: {  	s5 =	simm.s32 @p1 $0x1;
	p0 =	seq.s32 s7, s2  }
0x1e: {  	s7 =	smul.u32 @!p0 $0xF7A, s2;
	p2 =	seq.s32 @!p0 s5, $0x0  }
0x1f: {  	s9 =	smul.u32 $0xF7A, s1;
	s8 =	simm.s32 @!p0 $0x1BF5;
	p2 =	por !p2, p0  }
0x20: {  	[sflag:s8] =	ssyncset.s32 @!p0 $0xFFFFF086;
	s6 =	sadd.s32 @!p0 s3, s7;
	s7 =	simm.s32 @!p0 $0x108  }
0x21: {  	s3 =	sadd.s32 s3, s9;
	s6 =	sadd.s32 @!p0 $0x88, s6;
	s7 =	simm.s32 @p2 $0x1082  }
0x22: {  	[simem:s7], [sflag:s8] =	dma.local @!p0 [hbm:s6], $0xF7A  }
0x23: {  	s9 =	sor.u32 $0xD0000000, s2;
	s6 =	simm.s32 $0x108;
	_ =	swait.ge @!p0 [sflag:s8], $0x0  }
0x24: {  	s3 =	sadd.s32 $0x88, s3;
	s6 =	simm.s32 @!p1 $0x1082;
	[sflag:s4] =	ssyncset.s32 $0xFFFFF086  }
0x25: {  	[simem:s6], [sflag:s4] =	dma.local [hbm:s3], $0xF7A  }
0x26: {  	[smem:$0x3F99] =	sst s1;
	(tag) =	ssettag s2;
	_ =	strace s9  }
0x27: {  	s1 =	sld [smem:$0x3FA9]  }
0x28: {  	s2 =	sld [smem:$0x3FAA]  }
0x29: {  	s4 =	sld [smem:$0x3FAC]  }
0x2a: {  	p0 =	seq.s32 s5, $0x0;
	s5 =	sld [smem:$0x3FAD]  }
0x2b: {  	s6 =	sld [smem:$0x3FAE]  }
0x2c: {  	s7 =	sld [smem:$0x3FAF]  }
0x2d: {  	s3 =	simm.s32 $0x108;
	s8 =	sld [smem:$0x3FB0]  }
0x2e: {  	s3 =	simm.s32 @!p0 $0x1082;
	s9 =	sld [smem:$0x3FB1]  }
0x2f: {  	lr =	sadd.s32 s0, s3;
	s0 =	sld [smem:$0x3FA8]  }
0x30: {  	s3 =	sld [smem:$0x3FAB]  }
0x31: {  	[smem:$0x3FB4] =	sst s10  }
0x32: {  	s10 =	sld [smem:$0x3FB2];
	_ =	sdelay $0x3  }
0x33: {  	p0 =	seq.s32 s10, $0x1;
	s10 =	sld [smem:$0x3FB4];
	_ =	sdelay $0x3  }
0x34: {  	[smem:$0x3FB4] =	sst s10  }
0x35: {  	s10 =	sld [smem:$0x3FB3];
	_ =	sdelay $0x3  }
0x36: {  	p1 =	seq.s32 s10, $0x1;
	s10 =	sld [smem:$0x3FB4];
	_ =	sdelay $0x3  }
0x37: {  	[smem:$0x3FB4] =	sst s10  }
0x38: {  	s10 =	sld [smem:$0x3FB5]  }
0x39: {  	_ = 	snop;
	(pc) =	sbr.ind lr, $3  }
0x3a: {  	_ = 	snop  }
0x3b: {  	_ = 	snop  }
0x3c: {  	p2 =	seq.s32 s10, $0x1;
	s10 =	sld [smem:$0x3FB4]  }
0x3d: {  	_ =	shalt  }
0x3e: {  	_ =	shalt  }
0x3f: {  	_ =	shalt  }
0x40: {  	_ =	shalt  }
0x41: {  	_ =	shalt  }
0x42: {  	_ =	shalt  }
0x43: {  	_ =	shalt  }
0x44: {  	_ =	shalt  }
0x45: {  	_ =	shalt  }
0x46: {  	_ =	shalt  }
0x47: {  	_ =	shalt  }
0x48: {  	_ =	shalt  }
0x49: {  	_ =	shalt  }
0x4a: {  	_ =	shalt  }
0x4b: {  	_ =	shalt  }
0x4c: {  	_ =	shalt  }
0x4d: {  	_ =	shalt  }
0x4e: {  	_ =	shalt  }
0x4f: {  	_ =	shalt  }
0x50: {  	_ =	shalt  }
0x51: {  	_ =	shalt  }
0x52: {  	_ =	shalt  }
0x53: {  	_ =	shalt  }
0x54: {  	_ =	shalt  }
0x55: {  	_ =	shalt  }
0x56: {  	_ =	shalt  }
0x57: {  	_ =	shalt  }
0x58: {  	_ =	shalt  }
0x59: {  	_ =	shalt  }
0x5a: {  	_ =	shalt  }
0x5b: {  	_ =	shalt  }
0x5c: {  	_ =	shalt  }
0x5d: {  	_ =	shalt  }
0x5e: {  	_ =	shalt  }
0x5f: {  	_ =	shalt  }
0x60: {  	_ =	shalt  }
0x61: {  	_ =	shalt  }
0x62: {  	_ =	shalt  }
0x63: {  	_ =	shalt  }
0x64: {  	_ =	shalt  }
0x65: {  	_ =	shalt  }
0x66: {  	_ =	shalt  }
0x67: {  	_ =	shalt  }
0x68: {  	_ =	shalt  }
0x69: {  	_ =	shalt  }
0x6a: {  	_ =	shalt  }
0x6b: {  	_ =	shalt  }
0x6c: {  	_ =	shalt  }
0x6d: {  	_ =	shalt  }
0x6e: {  	_ =	shalt  }
0x6f: {  	_ =	shalt  }
0x70: {  	_ =	shalt  }
0x71: {  	_ =	shalt  }
0x72: {  	_ =	shalt  }
0x73: {  	_ =	shalt  }
0x74: {  	_ =	shalt  }
0x75: {  	_ =	shalt  }
0x76: {  	_ =	shalt  }
0x77: {  	_ =	shalt  }
0x78: {  	_ =	shalt  }
0x79: {  	_ =	shalt  }
0x7a: {  	_ =	shalt  }
0x7b: {  	_ =	shalt  }
0x7c: {  	_ =	shalt  }
0x7d: {  	_ =	shalt  }
0x7e: {  	_ =	shalt  }
0x7f: {  	_ =	shalt  }
0x80: {  	_ =	shalt  }
0x81: {  	_ =	shalt  }
0x82: {  	_ =	shalt  }
0x83: {  	_ =	shalt  }
0x84: {  	_ =	shalt  }
0x85: {  	_ =	shalt  }
0x86: {  	_ =	shalt  }
0x87: {  	_ =	shalt  }
.Lfunc_end0:
.L_simem_size_0:
called_computation.2_lowered:
.L_overlay_start_0:
0x88: {  	s2 =	sld [smem:$0x3FD9]  }
0x89: {  	s3 =	sld [smem:$0x3FFE];
	_ =	sdelay $0x1  }
0x8a: {  	s1 =	srdreg.scid  }
0x8b: {  	s0 =	sand.u32 $0x1, s1  }
0x8c: {  	s17 =	sshll.u32 s0, $0xA;
	s2 =	sadd.s32 s3, s2  }
0x8d: {  	s2 =	sadd.s32 s2, s17  }
0x8e: {  	[smem:$0x3FC0] =	sst s2  }
0x8f: {  	_ = 	snop  }
0x90: {  	s2 =	sld [smem:$0x3FD0];
	(tm) =	ssettm $0x1  }
0x91: {  	s18 =	sld [smem:$0x3FFB];
	_ =	sdelay $0x3  }
0x92: {  	_ =	strace s18  }
0x93: {  	s3 =	sld [smem:$0x3FFC];
	_ =	sdelay $0x3  }
0x94: {  	_ =	strace s3  }
0x95: {  	s3 =	sld [smem:$0x3FFD];
	_ =	sdelay $0x3  }
0x96: {  	_ =	strace s3  }
0x97: {  	_ =	strace $0x8FFFFFFF  }
0x98: {  	s19 =	sld [smem:$0x3FDB];
	_ =	sdelay $0x1  }
0x99: {  	s4 =	simm.s32 $_scs_section_size  }
0x9a: {  	s5 =	simm.s32 $_size__tile_overlayer_lowered;
	s6 =	simm.s32 $_tile_overlayer_lowered  }
0x9b: {  	s22 =	simm.s32 $0x1BFF;
	s21 =	sshll.u32 s6, $0x1;
	s3 =	sadd.s32 s4, s19  }
0x9c: {  	s7 =	simm.s32 $0x0;
	s20 =	sshll.u32 s5, $0x1;
	s5 =	sadd.s32 s21, s3  }
0x9d: {  	[timem:s7], [sflag:s22] =	dma.local [hbm:s5], s20  }
0x9e: {  	_ =	swait.ge [sflag:s22], s20  }
0x9f: {  	s4 =	ssub.s32 $0x0, s20;
	[sflag:s22] =	ssyncset.done $0x0  }
0xa0: {  	[sflag:s22] =	ssyncadd.s32 s4;
	_ =	sdelay $0x1  }
0xa1: {  	s23 =	simm.s32 $0x1B8B  }
0xa2: {  	_ =	swait.ge [sflag:s23], $0x1  }
0xa3: {  	[sflag:s23] =	ssyncset.done $0x0  }
0xa4: {  	s25 =	simm.s32 $0x1B8E;
	s24 =	sld [smem:$0x3FFE];
	[sflag:s23] =	ssyncadd.s32 $0xFFFFFFFF  }
0xa5: {  	s26 =	simm.s32 $execute0_lowered;
	[smem:$0x3FD2] =	sst s25  }
0xa6: {  	s5 =	sshll.u32 s26, $0x1;
	_ =	strace $0x8000004C;
	[dreg:$0x1] =	wrdreg $0xFFFFFFFF  }
0xa7: {  	s28 =	simm.s32 $_size_execute0_lowered;
	s3 =	sadd.s32 s3, s5;
	[dreg:$0x0] =	wrdreg $0x0  }
0xa8: {  	s5 =	sshll.u32 s28, $0x1;
	[dreg:$0x2] =	wrdreg s3  }
0xa9: {  	[dreg:$0x3] =	wrdreg s5  }
0xaa: {  	[dreg:$0x4] =	wrdreg $0xC0  }
0xab: {  	_ =	task [dreg:s7], $0x5FFFF  }
0xac: {  	[dreg:$0x1] =	wrdreg $0xFFFFFFFF  }
0xad: {  	[dreg:$0x0] =	wrdreg $0x60  }
0xae: {  	[dreg:$0x2] =	wrdreg s24  }
0xaf: {  	[dreg:$0x3] =	wrdreg s2  }
0xb0: {  	[dreg:$0x4] =	wrdreg $0x9F000  }
0xb1: {  	[dreg:$0x5] =	wrdreg $0x9  }
0xb2: {  	_ =	task.clear_ibuf [dreg:s7], $0x6FFFF;
	_ =	strace $0x9000004C  }
0xb3: {  	s29 =	simm.s32 $0x9;
	_ =	strace $0x8000004E  }
0xb4: {  	_ =	swait.ge [sflag:s29], $0x1  }
0xb5: {  	[sflag:s29] =	ssyncadd.s32 $0xFFFFFFFF  }
0xb6: {  	_ =	strace $0x9000004E  }
0xb7: {  	_ =	sfence  }
0xb8: {  	s30 =	sld [smem:$0x0];
	_ =	sdelay $0x2  }
0xb9: {  	s31 =	sshll.u32 s1, $0xD;
	s1 =	sshrl.u32 s1, $0x2  }
0xba: {  	s3 =	sand.u32 $0x4000, s31;
	s1 =	sadd.s32 s1, s30  }
0xbb: {  	s0 =	sor.u32 s3, s0;
	s1 =	sshll.u32 s1, $0x11  }
0xbc: {  	s0 =	sor.u32 s1, s0  }
0xbd: {  	s0 =	sadd.s32 $0x8F2B, s0  }
0xbe: {  	[sflag:s0] =	ssyncadd.remote.s32 $0x1  }
0xbf: {  	_ =	sfence.sel $0xFFFF  }
0xc0: {  	[dreg:$0x0] =	wrdreg $0xFFFFFFFF;
	(pc) =	sbr.abs _section_cstart, $3  }
0xc1: {  	[dreg:$0x1] =	wrdreg $0xFFFFFFFF  }
0xc2: {  	_ =	task.clear_ibuf [dreg:s7], $0x2FFFF;
	_ =	strace $0x9FFFFFFF  }
0xc3: {  	(tm) =	ssettm $0x7FFFFFFF  }
tec
execute0_lowered:
.L_overlay_start_1:
0x0: {  	(tag) =	ssettag $0x1  }
0x1: {  	s0 =	rddreg [dreg:$0x0]  }
0x2: {  	s1 =	rddreg [dreg:$0x1];
	s13 =	stileid.u32  }
0x3: {  	s3 =	srdreg.scid;
	s2 =	rddreg [dreg:$0x2]  }
0x4: {  	s28 =	simm.s32 $0x180;
	s29 =	simm.s32 $0x3;
	s4 =	smul.u32 $0x14000, s13  }
0x5: {  	s30 =	simm.s32 $0x280;
	s5 =	sand.u32 $0x1, s3;
	s10 =	smul.u32 $0x50000, s13  }
0x6: {  	s9 =	sshll.u32 s13, $0x1;
	s18 =	sshll.u32 s13, $0x6;
	s13 =	smul.u32 $0xC800, s13  }
0x7: {  	s31 =	simm.s32 $0x4;
	s3 =	simm.s32 $0x0;
	s6 =	smul.u32 $0x140000, s5  }
0x8: {  	[smem:$0x7FF] =	sst s3;
	s8 =	ssub.s32 $0x2, s5;
	s9 =	sor.u32 s5, s9  }
0x9: {  	s21 =	smul.u32 $0x6400, s5;
	_ =	strace $0x8000004D;
	s7 =	sshrl.u32 s4, $0x3  }
0xa: {  	s15 =	sshrl.u32 s8, $0x1;
	s16 =	sshrl.u32 s10, $0x2;
	s9 =	smul.u32 $0x6400, s9  }
0xb: {  	s6 =	sadd.s32 s4, s6;
	s4 =	sadd.s32 $0x2800, s0;
	s7 =	sadd.s32 s7, s0  }
0xc: {  	s8 =	ssub.s32 s8, s15;
	s16 =	sadd.s32 s16, s2;
	s6 =	sshrl.u32 s6, $0x3  }
0xd: {  	s17 =	sadd.s32 $0x52800, s7;
	s11 =	sor.u32 $0x100, s9;
	s19 =	sshrl.u32 s9, $0x3  }
0xe: {  	s12 =	sor.u32 $0x200, s9;
	s22 =	smax.u32 s8, $0x1;
	s16 =	sshrl.u32 s16, $0x3  }
0xf: {  	s0 =	sadd.s32 s6, s0;
	[dreg:$0x4] =	wrdreg s17;
	s6 =	sor.u32 $0x1C07, s18  }
0x10: {  	s7 =	sadd.s32 s1, s19;
	[dreg:$0x7] =	wrdreg s22;
	s23 =	sshrl.u32 s11, $0x3  }
0x11: {  	s24 =	sshrl.u32 s12, $0x3;
	s17 =	simm.s32 $0x7;
	s18 =	simm.s32 $0x64  }
0x12: {  	s19 =	simm.s32 $0x300;
	s22 =	simm.s32 $0x200;
	s20 =	sadd.s32 $0xC60, s7  }
0x13: {  	s0 =	sadd.s32 $0x7A800, s0;
	s11 =	sadd.s32 s1, s23;
	s12 =	sadd.s32 s1, s24  }
0x14: {  	s23 =	simm.s32 $0x6B00;
	s24 =	simm.s32 $0x1;
	[dreg:$0x5] =	wrdreg s20  }
0x15: {  	[dreg:$0x6] =	wrdreg s0;
	s0 =	sadd.s32 s21, s13;
	s20 =	simm.s32 $0x100  }
0x16: {  	s21 =	simm.s32 $0x3700;
	s25 =	sadd.s32 $0x500, s0;
	s26 =	sadd.s32 $0x400, s0  }
0x17: {  	s0 =	sor.u32 $0x300, s0;
	s5 =	sshrl.u32 s25, $0x3;
	s8 =	sshrl.u32 s26, $0x3  }
0x18: {  	s0 =	sshrl.u32 s0, $0x3;
	s25 =	simm.s32 $0x80;
	s26 =	simm.s32 $0x2  }
0x19: {  	s13 =	sadd.s32 s5, s1;
	s14 =	sadd.s32 s8, s1;
	s15 =	sadd.s32 s0, s1  }
0x1a: {  	s1 =	simm.s32 $0x5;
	s0 =	simm.s32 $0x6;
	s5 =	simm.s32 $0x0  }
.LBB2_1:
0x1b: {  	s8 =	rddreg [dreg:$0x4]  }
0x1c: {  	[spmem:s16], [sflag:s6] =	dma.local [hbm:s8], $0x2800  }
0x1d: {  	_ =	swait.ge [sflag:s17], $0x2800  }
0x1e: {  	[sflag:s17] =	ssyncset.done $0x0  }
0x1f: {  	[sflag:s17] =	ssyncadd.s32 $0xFFFFD800  }
0x20: {  	[bflag:$0x0] =	sbarrier.arrive $0xFFFF  }
0x21: {  	[tilespmem:s3], [sflag:$0x7] =	stream.linear.gather [hbm4b:s7+s3], $0x100, $0x38;
	[tilespmem:$0x1DF00] =	vst v63  }
0x22: {  	_ =	swait.ge [sflag:s17], $0x100  }
0x23: {  	[sflag:s17] =	ssyncset.done $0x0  }
0x24: {  	[sflag:s17] =	ssyncadd.s32 $0xFFFFFF00  }
0x25: {  	[tilespmem:s19], [sflag:$0x1] =	stream.indirect.gather [hbm4b:s4+s18], $0x80, s3, s18, $0xb8;
	[tilespmem:$0x1DF00] =	vst v63  }
0x26: {  	_ = 	snop  }
0x27: {  	[tilespmem:s20], [sflag:$0x7] =	stream.linear.gather [hbm4b:s11+s3], $0x100, $0x38;
	[tilespmem:$0x1DF00] =	vst v63  }
0x28: {  	_ =	swait.ge [sflag:s17], $0x100  }
0x29: {  	[sflag:s17] =	ssyncset.done $0x0  }
0x2a: {  	[sflag:s17] =	ssyncadd.s32 $0xFFFFFF00  }
0x2b: {  	[tilespmem:s21], [sflag:$0x2] =	stream.indirect.gather [hbm4b:s4+s18], $0x80, s20, s18, $0xb8;
	[tilespmem:$0x1DF00] =	vst v63  }
0x2c: {  	_ = 	snop  }
0x2d: {  	[tilespmem:s22], [sflag:$0x7] =	stream.linear.gather [hbm4b:s12+s3], $0x100, $0x38;
	[tilespmem:$0x1DF00] =	vst v63  }
0x2e: {  	_ =	swait.ge [sflag:s17], $0x100  }
0x2f: {  	[sflag:s17] =	ssyncset.done $0x0  }
0x30: {  	[sflag:s17] =	ssyncadd.s32 $0xFFFFFF00  }
0x31: {  	[tilespmem:s23], [sflag:$0x3] =	stream.indirect.gather [hbm4b:s4+s18], $0x80, s22, s18, $0xb8;
	[tilespmem:$0x1DF00] =	vst v63  }
0x32: {  	_ =	swait.ge [sflag:s24], $0x3200  }
0x33: {  	[sflag:s24] =	ssyncset.done $0x0  }
0x34: {  	[sflag:s24] =	ssyncadd.s32 $0xFFFFCE00  }
0x35: {  	[spmem:s2] =	stream.indirect.scatter.add.f32 [tilespmem:s19], [sflag:$0x4], $0x80, s25, s18, $0xb8;
	[tilespmem:$0x1DF00] =	vst v63  }
0x36: {  	_ =	swait.ge [sflag:s26], $0x3200  }
0x37: {  	[sflag:s26] =	ssyncset.done $0x0  }
0x38: {  	[sflag:s26] =	ssyncadd.s32 $0xFFFFCE00  }
0x39: {  	[spmem:s2] =	stream.indirect.scatter.add.f32 [tilespmem:s21], [sflag:$0x5], $0x80, s28, s18, $0xb8;
	[tilespmem:$0x1DF00] =	vst v63  }
0x3a: {  	_ =	swait.ge [sflag:s29], $0x3200  }
0x3b: {  	[sflag:s29] =	ssyncset.done $0x0  }
0x3c: {  	[sflag:s29] =	ssyncadd.s32 $0xFFFFCE00  }
0x3d: {  	[spmem:s2] =	stream.indirect.scatter.add.f32 [tilespmem:s23], [sflag:$0x6], $0x80, s30, s18, $0xb8;
	[tilespmem:$0x1DF00] =	vst v63  }
0x3e: {  	_ =	swait.ge [sflag:s31], $0x3200  }
0x3f: {  	[sflag:s31] =	ssyncset.done $0x0  }
0x40: {  	s10 =	sadd.s32 $0x0, s15;
	[sflag:s31] =	ssyncadd.s32 $0xFFFFCE00  }
0x41: {  	[tilespmem:s3], [sflag:$0x7] =	stream.linear.gather [hbm4b:s10+s3], $0x100, $0x38;
	[tilespmem:$0x1DF00] =	vst v63  }
0x42: {  	_ =	swait.ge [sflag:s17], $0x100  }
0x43: {  	[sflag:s17] =	ssyncset.done $0x0  }
0x44: {  	[sflag:s17] =	ssyncadd.s32 $0xFFFFFF00  }
0x45: {  	[tilespmem:s19], [sflag:$0x1] =	stream.indirect.gather [hbm4b:s4+s18], $0x80, s3, s18, $0xb8;
	[tilespmem:$0x1DF00] =	vst v63  }
0x46: {  	_ =	swait.ge [sflag:s1], $0x3200  }
0x47: {  	[sflag:s1] =	ssyncset.done $0x0  }
0x48: {  	s9 =	sadd.s32 $0x0, s14;
	[sflag:s1] =	ssyncadd.s32 $0xFFFFCE00  }
0x49: {  	[tilespmem:s20], [sflag:$0x7] =	stream.linear.gather [hbm4b:s9+s3], $0x100, $0x38;
	[tilespmem:$0x1DF00] =	vst v63  }
0x4a: {  	_ =	swait.ge [sflag:s17], $0x100  }
0x4b: {  	[sflag:s17] =	ssyncset.done $0x0  }
0x4c: {  	[sflag:s17] =	ssyncadd.s32 $0xFFFFFF00  }
0x4d: {  	[tilespmem:s21], [sflag:$0x2] =	stream.indirect.gather [hbm4b:s4+s18], $0x80, s20, s18, $0xb8;
	[tilespmem:$0x1DF00] =	vst v63  }
0x4e: {  	_ =	swait.ge [sflag:s0], $0x3200  }
0x4f: {  	[sflag:s0] =	ssyncset.done $0x0  }
0x50: {  	s10 =	sadd.s32 $0x0, s13;
	[sflag:s0] =	ssyncadd.s32 $0xFFFFCE00  }
0x51: {  	[tilespmem:s22], [sflag:$0x7] =	stream.linear.gather [hbm4b:s10+s3], $0x100, $0x38;
	[tilespmem:$0x1DF00] =	vst v63  }
0x52: {  	_ =	swait.ge [sflag:s17], $0x100  }
0x53: {  	[sflag:s17] =	ssyncset.done $0x0  }
0x54: {  	[sflag:s17] =	ssyncadd.s32 $0xFFFFFF00  }
0x55: {  	[tilespmem:s23], [sflag:$0x3] =	stream.indirect.gather [hbm4b:s4+s18], $0x80, s22, s18, $0xb8;
	[tilespmem:$0x1DF00] =	vst v63  }
0x56: {  	_ =	swait.ge [sflag:s24], $0x3200  }
0x57: {  	[sflag:s24] =	ssyncset.done $0x0  }
0x58: {  	[sflag:s24] =	ssyncadd.s32 $0xFFFFCE00  }
0x59: {  	[spmem:s2] =	stream.indirect.scatter.add.f32 [tilespmem:s19], [sflag:$0x4], $0x80, s25, s18, $0xb8;
	[tilespmem:$0x1DF00] =	vst v63  }
0x5a: {  	_ =	swait.ge [sflag:s26], $0x3200  }
0x5b: {  	[sflag:s26] =	ssyncset.done $0x0  }
0x5c: {  	[sflag:s26] =	ssyncadd.s32 $0xFFFFCE00  }
0x5d: {  	[spmem:s2] =	stream.indirect.scatter.add.f32 [tilespmem:s21], [sflag:$0x5], $0x80, s28, s18, $0xb8;
	[tilespmem:$0x1DF00] =	vst v63  }
0x5e: {  	_ =	swait.ge [sflag:s29], $0x3200  }
0x5f: {  	[sflag:s29] =	ssyncset.done $0x0  }
0x60: {  	s8 =	simm.s32 $0x60;
	[sflag:s29] =	ssyncadd.s32 $0xFFFFCE00  }
.LBB2_2:
0x61: {  	[spmem:s2] =	stream.indirect.scatter.add.f32 [tilespmem:s23], [sflag:$0x6], $0x80, s30, s18, $0xb8;
	[tilespmem:$0x1DF00] =	vst v63  }
0x62: {  	s9 =	smov.u32 s8  }
0x63: {  	p0 =	sne.s32 s8, $0xBA0;
	s8 =	sadd.s32 $0x60, s8;
	_ =	swait.ge [sflag:s31], $0x3200  }
0x64: {  	[sflag:s31] =	ssyncset.done $0x0  }
0x65: {  	s10 =	sadd.s32 s9, s15;
	[sflag:s31] =	ssyncadd.s32 $0xFFFFCE00  }
0x66: {  	[tilespmem:s3], [sflag:$0x7] =	stream.linear.gather [hbm4b:s10+s3], $0x100, $0x38;
	[tilespmem:$0x1DF00] =	vst v63  }
0x67: {  	_ =	swait.ge [sflag:s17], $0x100  }
0x68: {  	[sflag:s17] =	ssyncset.done $0x0  }
0x69: {  	[sflag:s17] =	ssyncadd.s32 $0xFFFFFF00  }
0x6a: {  	[tilespmem:s19], [sflag:$0x1] =	stream.indirect.gather [hbm4b:s4+s18], $0x80, s3, s18, $0xb8;
	[tilespmem:$0x1DF00] =	vst v63  }
0x6b: {  	_ =	swait.ge [sflag:s1], $0x3200  }
0x6c: {  	[sflag:s1] =	ssyncset.done $0x0  }
0x6d: {  	s10 =	sadd.s32 s9, s14;
	[sflag:s1] =	ssyncadd.s32 $0xFFFFCE00  }
0x6e: {  	[tilespmem:s20], [sflag:$0x7] =	stream.linear.gather [hbm4b:s10+s3], $0x100, $0x38;
	[tilespmem:$0x1DF00] =	vst v63  }
0x6f: {  	_ =	swait.ge [sflag:s17], $0x100  }
0x70: {  	[sflag:s17] =	ssyncset.done $0x0  }
0x71: {  	[sflag:s17] =	ssyncadd.s32 $0xFFFFFF00  }
0x72: {  	[tilespmem:s21], [sflag:$0x2] =	stream.indirect.gather [hbm4b:s4+s18], $0x80, s20, s18, $0xb8;
	[tilespmem:$0x1DF00] =	vst v63  }
0x73: {  	_ =	swait.ge [sflag:s0], $0x3200  }
0x74: {  	[sflag:s0] =	ssyncset.done $0x0  }
0x75: {  	s9 =	sadd.s32 s9, s13;
	[sflag:s0] =	ssyncadd.s32 $0xFFFFCE00  }
0x76: {  	[tilespmem:s22], [sflag:$0x7] =	stream.linear.gather [hbm4b:s9+s3], $0x100, $0x38;
	[tilespmem:$0x1DF00] =	vst v63  }
0x77: {  	_ =	swait.ge [sflag:s17], $0x100  }
0x78: {  	[sflag:s17] =	ssyncset.done $0x0  }
0x79: {  	[sflag:s17] =	ssyncadd.s32 $0xFFFFFF00  }
0x7a: {  	[tilespmem:s23], [sflag:$0x3] =	stream.indirect.gather [hbm4b:s4+s18], $0x80, s22, s18, $0xb8;
	[tilespmem:$0x1DF00] =	vst v63  }
0x7b: {  	_ =	swait.ge [sflag:s24], $0x3200  }
0x7c: {  	[sflag:s24] =	ssyncset.done $0x0  }
0x7d: {  	[sflag:s24] =	ssyncadd.s32 $0xFFFFCE00  }
0x7e: {  	[spmem:s2] =	stream.indirect.scatter.add.f32 [tilespmem:s19], [sflag:$0x4], $0x80, s25, s18, $0xb8;
	[tilespmem:$0x1DF00] =	vst v63  }
0x7f: {  	_ =	swait.ge [sflag:s26], $0x3200  }
0x80: {  	[sflag:s26] =	ssyncset.done $0x0  }
.Ltmp0:
0x81: {  	[sflag:s26] =	ssyncadd.s32 $0xFFFFCE00;
	(pc) =	sbr.rel @p0 .LBB2_2-.Ltmp0, $4  }
0x82: {  	[spmem:s2] =	stream.indirect.scatter.add.f32 [tilespmem:s21], [sflag:$0x5], $0x80, s28, s18, $0xb8;
	[tilespmem:$0x1DF00] =	vst v63  }
0x83: {  	_ =	swait.ge [sflag:s29], $0x3200  }
0x84: {  	[sflag:s29] =	ssyncset.done $0x0  }
0x85: {  	[sflag:s29] =	ssyncadd.s32 $0xFFFFCE00  }
0x86: {  	[spmem:s2] =	stream.indirect.scatter.add.f32 [tilespmem:s23], [sflag:$0x6], $0x80, s30, s18, $0xb8;
	[tilespmem:$0x1DF00] =	vst v63  }
0x87: {  	_ =	swait.ge [sflag:s31], $0x3200  }
0x88: {  	[sflag:s31] =	ssyncset.done $0x0  }
0x89: {  	s8 =	rddreg [dreg:$0x5];
	[sflag:s31] =	ssyncadd.s32 $0xFFFFCE00  }
0x8a: {  	[tilespmem:s3], [sflag:$0x7] =	stream.linear.gather [hbm4b:s8+s3], $0x100, $0x38;
	[tilespmem:$0x1DF00] =	vst v63  }
0x8b: {  	_ =	swait.ge [sflag:s17], $0x100  }
0x8c: {  	[sflag:s17] =	ssyncset.done $0x0  }
0x8d: {  	[sflag:s17] =	ssyncadd.s32 $0xFFFFFF00  }
0x8e: {  	[tilespmem:s19], [sflag:$0x1] =	stream.indirect.gather [hbm4b:s4+s18], $0x80, s3, s18, $0xb8;
	[tilespmem:$0x1DF00] =	vst v63  }
0x8f: {  	_ =	swait.ge [sflag:s24], $0x3200  }
0x90: {  	[sflag:s24] =	ssyncset.done $0x0  }
0x91: {  	[sflag:s24] =	ssyncadd.s32 $0xFFFFCE00  }
0x92: {  	[spmem:s2] =	stream.indirect.scatter.add.f32 [tilespmem:s19], [sflag:$0x4], $0x80, s25, s18, $0xb8;
	[tilespmem:$0x1DF00] =	vst v63  }
0x93: {  	_ =	swait.ge [sflag:s1], $0x3200  }
0x94: {  	[sflag:s1] =	ssyncset.done $0x0  }
0x95: {  	[sflag:s1] =	ssyncadd.s32 $0xFFFFCE00  }
0x96: {  	_ =	swait.ge [sflag:s0], $0x3200  }
0x97: {  	[sflag:s0] =	ssyncset.done $0x0  }
0x98: {  	[sflag:s0] =	ssyncadd.s32 $0xFFFFCE00  }
0x99: {  	_ =	swait.ge [sflag:s31], $0x3200  }
0x9a: {  	[sflag:s31] =	ssyncset.done $0x0  }
0x9b: {  	[sflag:s31] =	ssyncadd.s32 $0xFFFFCE00  }
0x9c: {  	[bflag:$0x0] =	sbarrier.arrive $0xFFFF  }
0x9d: {  	s9 =	rddreg [dreg:$0x6]  }
0x9e: {  	[hbm:s9], [sflag:s6] =	dma.local [spmem:s16], $0x2800  }
0x9f: {  	_ =	swait.ge [sflag:s17], $0x2800  }
0xa0: {  	s5 =	sadd.s32 $0x1, s5;
	s10 =	rddreg [dreg:$0x7]  }
0xa1: {  	p0 =	sne.s32 s5, s10  }
.Ltmp1:
0xa2: {  	_ = 	snop;
	(pc) =	sbr.rel @p0 .LBB2_1-.Ltmp1, $3  }
0xa3: {  	_ =	sdelay $0x1  }
0xa4: {  	[sflag:s17] =	ssyncset.done $0x0  }
0xa5: {  	[sflag:s17] =	ssyncadd.s32 $0xFFFFD800  }
0xa6: {  	_ =	sfence.sel $0x180000  }
0xa7: {  	[bflag:$0x0] =	sbarrier.arrive $0xFFFF  }
0xa8: {  	_ =	strace $0x9000004D  }
0xa9: {  	s0 =	stileid.u32;
	[bflag:$0x2] =	sbarrier.arrive $0xFFFF  }
0xaa: {  	p0 =	sne.s32 s0, $0x0;
	s0 =	rddreg [dreg:$0x3]  }
0xab: {  	s0 =	sadd.s32 @!p0 $0x100000, s0  }
0xac: {  	[sflag:s0] =	ssyncadd.tile.s32 @!p0 $0x1;
	_ =	shalt  }
.Lfunc_end2:
_tile_overlayer_lowered:
.L_overlay_start_2:
0xad: {  	(tag) =	ssettag $0x2  }
0xae: {  	s0 =	rddreg [dreg:$0x0];
	s2 =	stileid.u32  }
0xaf: {  	s1 =	rddreg [dreg:$0x1];
	p0 =	sne.s32 s2, $0x0  }
0xb0: {  	s3 =	rddreg [dreg:$0x2];
	[bflag:$0x3] =	sbarrier.arrive $0xFFFF;
	s2 =	simm.s32 @!p0 $0x1C07  }
0xb1: {  	[timem:s3], [sflag:s2] =	dma.local @!p0 [hbm:s0], s1  }
0xb2: {  	s0 =	simm.s32 @!p0 $0x7  }
0xb3: {  	_ =	swait.ge @!p0 [sflag:s0], s1  }
0xb4: {  	s1 =	ssub.s32 @!p0 $0x0, s1;
	[sflag:s0] =	ssyncset.done @!p0 $0x0  }
0xb5: {  	[sflag:s0] =	ssyncadd.s32 @!p0 s1  }
0xb6: {  	[bflag:$0x3] =	sbarrier.arrive $0xFFFF  }
0xb7: {  	_ =	shalt  }

// kernel: kernel.8.cloned.1.call-start
scs
__scs_entry_jumppad:
0x0: {  	(pc) =	sbr.rel $0x88, $3  }
0x1: {  	(tag) =	ssettag $0x0;
	lr =	simm.s32 $0x1  }
0x2: {  	[smem:$0x3F99] =	sst lr;
	_ =	strace $0xD0000000  }
0x3: {  	_ = 	snop  }
0x4: {  	_ = 	snop  }
0x5: {  	_ = 	snop  }
0x6: {  	_ = 	snop  }
0x7: {  	_ = 	snop  }
__scs_overlays_trampoline_lowered:
0x8: {  	[smem:$0x3FA8] =	sst s0  }
0x9: {  	[smem:$0x3FA9] =	sst s1  }
0xa: {  	[smem:$0x3FAA] =	sst s2  }
0xb: {  	[smem:$0x3FAB] =	sst s3  }
0xc: {  	[smem:$0x3FAC] =	sst s4  }
0xd: {  	[smem:$0x3FAD] =	sst s5  }
0xe: {  	[smem:$0x3FAE] =	sst s6  }
0xf: {  	[smem:$0x3FAF] =	sst s7  }
0x10: {  	[smem:$0x3FB0] =	sst s8  }
0x11: {  	[smem:$0x3FB1] =	sst s9;
	s0 =	simm.s32 @!p0 $0x0  }
0x12: {  	s1 =	sld [smem:$0x3F97];
	s0 =	simm.s32 @p0 $0x1  }
0x13: {  	[smem:$0x3FB2] =	sst s0;
	s0 =	simm.s32 @!p1 $0x0  }
0x14: {  	s2 =	sld [smem:$0x3F96];
	s0 =	simm.s32 @p1 $0x1  }
0x15: {  	[smem:$0x3FB3] =	sst s0;
	s0 =	simm.s32 @!p2 $0x0  }
0x16: {  	s3 =	sld [smem:$0x3FDB];
	s0 =	simm.s32 @p2 $0x1  }
0x17: {  	s4 =	simm.s32 $0x1BF5;
	[smem:$0x3FB5] =	sst s0  }
0x18: {  	s0 =	sld [smem:$0x3F98];
	_ =	swait.ge [sflag:s4], $0x0  }
0x19: {  	s7 =	sld [smem:$0x3F99]  }
0x1a: {  	s8 =	sadd.s32 $0xFFFFE003, lr  }
0x1b: {  	s9 =	sadd.s32 $0xFFFFFEF7, lr;
	s5 =	simm.s32 $0xFFFFFFFF;
	p2 =	slt.u32 s8, $0xFFFFF086  }
0x1c: {  	p1 =	slt.u32 s9, $0xF7A;
	s5 =	simm.s32 @!p2 $0x0  }
0x1d: {  	s5 =	simm.s32 @p1 $0x1;
	p0 =	seq.s32 s7, s2  }
0x1e: {  	s7 =	smul.u32 @!p0 $0xF7A, s2;
	p2 =	seq.s32 @!p0 s5, $0x0  }
0x1f: {  	s9 =	smul.u32 $0xF7A, s1;
	s8 =	simm.s32 @!p0 $0x1BF5;
	p2 =	por !p2, p0  }
0x20: {  	[sflag:s8] =	ssyncset.s32 @!p0 $0xFFFFF086;
	s6 =	sadd.s32 @!p0 s3, s7;
	s7 =	simm.s32 @!p0 $0x108  }
0x21: {  	s3 =	sadd.s32 s3, s9;
	s6 =	sadd.s32 @!p0 $0x88, s6;
	s7 =	simm.s32 @p2 $0x1082  }
0x22: {  	[simem:s7], [sflag:s8] =	dma.local @!p0 [hbm:s6], $0xF7A  }
0x23: {  	s9 =	sor.u32 $0xD0000000, s2;
	s6 =	simm.s32 $0x108;
	_ =	swait.ge @!p0 [sflag:s8], $0x0  }
0x24: {  	s3 =	sadd.s32 $0x88, s3;
	s6 =	simm.s32 @!p1 $0x1082;
	[sflag:s4] =	ssyncset.s32 $0xFFFFF086  }
0x25: {  	[simem:s6], [sflag:s4] =	dma.local [hbm:s3], $0xF7A  }
0x26: {  	[smem:$0x3F99] =	sst s1;
	(tag) =	ssettag s2;
	_ =	strace s9  }
0x27: {  	s1 =	sld [smem:$0x3FA9]  }
0x28: {  	s2 =	sld [smem:$0x3FAA]  }
0x29: {  	s4 =	sld [smem:$0x3FAC]  }
0x2a: {  	p0 =	seq.s32 s5, $0x0;
	s5 =	sld [smem:$0x3FAD]  }
0x2b: {  	s6 =	sld [smem:$0x3FAE]  }
0x2c: {  	s7 =	sld [smem:$0x3FAF]  }
0x2d: {  	s3 =	simm.s32 $0x108;
	s8 =	sld [smem:$0x3FB0]  }
0x2e: {  	s3 =	simm.s32 @!p0 $0x1082;
	s9 =	sld [smem:$0x3FB1]  }
0x2f: {  	lr =	sadd.s32 s0, s3;
	s0 =	sld [smem:$0x3FA8]  }
0x30: {  	s3 =	sld [smem:$0x3FAB]  }
0x31: {  	[smem:$0x3FB4] =	sst s10  }
0x32: {  	s10 =	sld [smem:$0x3FB2];
	_ =	sdelay $0x3  }
0x33: {  	p0 =	seq.s32 s10, $0x1;
	s10 =	sld [smem:$0x3FB4];
	_ =	sdelay $0x3  }
0x34: {  	[smem:$0x3FB4] =	sst s10  }
0x35: {  	s10 =	sld [smem:$0x3FB3];
	_ =	sdelay $0x3  }
0x36: {  	p1 =	seq.s32 s10, $0x1;
	s10 =	sld [smem:$0x3FB4];
	_ =	sdelay $0x3  }
0x37: {  	[smem:$0x3FB4] =	sst s10  }
0x38: {  	s10 =	sld [smem:$0x3FB5]  }
0x39: {  	_ = 	snop;
	(pc) =	sbr.ind lr, $3  }
0x3a: {  	_ = 	snop  }
0x3b: {  	_ = 	snop  }
0x3c: {  	p2 =	seq.s32 s10, $0x1;
	s10 =	sld [smem:$0x3FB4]  }
0x3d: {  	_ =	shalt  }
0x3e: {  	_ =	shalt  }
0x3f: {  	_ =	shalt  }
0x40: {  	_ =	shalt  }
0x41: {  	_ =	shalt  }
0x42: {  	_ =	shalt  }
0x43: {  	_ =	shalt  }
0x44: {  	_ =	shalt  }
0x45: {  	_ =	shalt  }
0x46: {  	_ =	shalt  }
0x47: {  	_ =	shalt  }
0x48: {  	_ =	shalt  }
0x49: {  	_ =	shalt  }
0x4a: {  	_ =	shalt  }
0x4b: {  	_ =	shalt  }
0x4c: {  	_ =	shalt  }
0x4d: {  	_ =	shalt  }
0x4e: {  	_ =	shalt  }
0x4f: {  	_ =	shalt  }
0x50: {  	_ =	shalt  }
0x51: {  	_ =	shalt  }
0x52: {  	_ =	shalt  }
0x53: {  	_ =	shalt  }
0x54: {  	_ =	shalt  }
0x55: {  	_ =	shalt  }
0x56: {  	_ =	shalt  }
0x57: {  	_ =	shalt  }
0x58: {  	_ =	shalt  }
0x59: {  	_ =	shalt  }
0x5a: {  	_ =	shalt  }
0x5b: {  	_ =	shalt  }
0x5c: {  	_ =	shalt  }
0x5d: {  	_ =	shalt  }
0x5e: {  	_ =	shalt  }
0x5f: {  	_ =	shalt  }
0x60: {  	_ =	shalt  }
0x61: {  	_ =	shalt  }
0x62: {  	_ =	shalt  }
0x63: {  	_ =	shalt  }
0x64: {  	_ =	shalt  }
0x65: {  	_ =	shalt  }
0x66: {  	_ =	shalt  }
0x67: {  	_ =	shalt  }
0x68: {  	_ =	shalt  }
0x69: {  	_ =	shalt  }
0x6a: {  	_ =	shalt  }
0x6b: {  	_ =	shalt  }
0x6c: {  	_ =	shalt  }
0x6d: {  	_ =	shalt  }
0x6e: {  	_ =	shalt  }
0x6f: {  	_ =	shalt  }
0x70: {  	_ =	shalt  }
0x71: {  	_ =	shalt  }
0x72: {  	_ =	shalt  }
0x73: {  	_ =	shalt  }
0x74: {  	_ =	shalt  }
0x75: {  	_ =	shalt  }
0x76: {  	_ =	shalt  }
0x77: {  	_ =	shalt  }
0x78: {  	_ =	shalt  }
0x79: {  	_ =	shalt  }
0x7a: {  	_ =	shalt  }
0x7b: {  	_ =	shalt  }
0x7c: {  	_ =	shalt  }
0x7d: {  	_ =	shalt  }
0x7e: {  	_ =	shalt  }
0x7f: {  	_ =	shalt  }
0x80: {  	_ =	shalt  }
0x81: {  	_ =	shalt  }
0x82: {  	_ =	shalt  }
0x83: {  	_ =	shalt  }
0x84: {  	_ =	shalt  }
0x85: {  	_ =	shalt  }
0x86: {  	_ =	shalt  }
0x87: {  	_ =	shalt  }
.Lfunc_end0:
.L_simem_size_0:
called_computation_lowered:
.L_overlay_start_0:
0x88: {  	s2 =	sld [smem:$0x3FD9]  }
0x89: {  	s3 =	sld [smem:$0x3FFE];
	_ =	sdelay $0x1  }
0x8a: {  	s1 =	srdreg.scid  }
0x8b: {  	s0 =	sand.u32 $0x1, s1  }
0x8c: {  	s17 =	sshll.u32 s0, $0xA;
	s2 =	sadd.s32 s3, s2  }
0x8d: {  	s2 =	sadd.s32 s2, s17  }
0x8e: {  	[smem:$0x3FC0] =	sst s2  }
0x8f: {  	_ = 	snop  }
0x90: {  	(tm) =	ssettm $0x1  }
0x91: {  	s18 =	sld [smem:$0x3FFB];
	_ =	sdelay $0x3  }
0x92: {  	_ =	strace s18  }
0x93: {  	s2 =	sld [smem:$0x3FFC];
	_ =	sdelay $0x3  }
0x94: {  	_ =	strace s2  }
0x95: {  	s2 =	sld [smem:$0x3FFD];
	_ =	sdelay $0x3  }
0x96: {  	_ =	strace s2  }
0x97: {  	_ =	strace $0x8FFFFFFF  }
0x98: {  	s19 =	sld [smem:$0x3FDB];
	_ =	sdelay $0x1  }
0x99: {  	s20 =	simm.s32 $_scs_section_size  }
0x9a: {  	s4 =	simm.s32 $_size__tile_overlayer_lowered;
	s5 =	simm.s32 $_tile_overlayer_lowered  }
0x9b: {  	s6 =	simm.s32 $0x1BFF;
	s21 =	sshll.u32 s5, $0x1;
	s3 =	sadd.s32 s20, s19  }
0x9c: {  	s22 =	simm.s32 $0x0;
	s4 =	sshll.u32 s4, $0x1;
	s5 =	sadd.s32 s21, s3  }
0x9d: {  	[timem:s22], [sflag:s6] =	dma.local [hbm:s5], s4  }
0x9e: {  	_ =	swait.ge [sflag:s6], s4  }
0x9f: {  	s4 =	ssub.s32 $0x0, s4;
	[sflag:s6] =	ssyncset.done $0x0  }
0xa0: {  	[sflag:s6] =	ssyncadd.s32 s4;
	_ =	sdelay $0x1  }
0xa1: {  	s23 =	simm.s32 $0x1B8B  }
0xa2: {  	_ =	swait.ge [sflag:s23], $0x1  }
0xa3: {  	[sflag:s23] =	ssyncset.done $0x0  }
0xa4: {  	[sflag:s23] =	ssyncadd.s32 $0xFFFFFFFF  }
0xa5: {  	s4 =	sld [smem:$0x0]  }
0xa6: {  	s5 =	sand.u32 $0xFFFFFFFE, s1  }
0xa7: {  	p0 =	sne.s32 s1, s5  }
0xa8: {  	s5 =	sshll.u32 @p0 s5, $0xE  }
0xa9: {  	s5 =	sadd.s32 @p0 $0x11B8D, s5;
	s6 =	sshll.u32 @p0 s4, $0x11  }
0xaa: {  	s5 =	sor.u32 @p0 s6, s5  }
0xab: {  	[sflag:s5] =	ssyncadd.remote.s32 @p0 $0x1;
	_ =	sdelay $0x1  }
0xac: {  	s5 =	simm.s32 @p0 $0x1B8D  }
0xad: {  	_ =	swait.eq @p0 [sflag:s5], $0x1  }
0xae: {  	[sflag:s5] =	ssyncadd.s32 @p0 $0xFFFFFFFF  }
0xaf: {  	s6 =	sshll.u32 @!p0 s1, $0xE  }
0xb0: {  	s6 =	sor.u32 @!p0 $0x4000, s6;
	s5 =	simm.s32 @!p0 $0x1B8D  }
0xb1: {  	s4 =	sshll.u32 @!p0 s4, $0x11;
	s6 =	sadd.s32 @!p0 $0x11B8D, s6;
	_ =	swait.eq @!p0 [sflag:s5], $0x1  }
0xb2: {  	s4 =	sor.u32 @!p0 s4, s6;
	[sflag:s5] =	ssyncadd.s32 @!p0 $0xFFFFFFFF  }
0xb3: {  	s25 =	simm.s32 $0x1B8E;
	s24 =	sld [smem:$0x3FFE];
	[sflag:s4] =	ssyncadd.remote.s32 @!p0 $0x1  }
0xb4: {  	s26 =	simm.s32 $execute0_lowered;
	[smem:$0x3FD2] =	sst s25  }
0xb5: {  	s5 =	sshll.u32 s26, $0x1;
	_ =	strace $0x80000049;
	[dreg:$0x1] =	wrdreg $0xFFFFFFFF  }
0xb6: {  	s28 =	simm.s32 $_size_execute0_lowered;
	s3 =	sadd.s32 s3, s5;
	[dreg:$0x0] =	wrdreg $0x0  }
0xb7: {  	s5 =	sshll.u32 s28, $0x1;
	[dreg:$0x2] =	wrdreg s3  }
0xb8: {  	[dreg:$0x3] =	wrdreg s5  }
0xb9: {  	[dreg:$0x4] =	wrdreg $0xC0  }
0xba: {  	_ =	task [dreg:s22], $0x5FFFF  }
0xbb: {  	[dreg:$0x1] =	wrdreg $0xFFFFFFFF  }
0xbc: {  	[dreg:$0x0] =	wrdreg $0x60  }
0xbd: {  	[dreg:$0x2] =	wrdreg s24  }
0xbe: {  	[dreg:$0x3] =	wrdreg $0x68000  }
0xbf: {  	[dreg:$0x4] =	wrdreg $0x9  }
0xc0: {  	_ =	task.clear_ibuf [dreg:s22], $0x5FFFF;
	_ =	strace $0x90000049  }
0xc1: {  	s29 =	simm.s32 $0x9;
	_ =	strace $0x8000004B  }
0xc2: {  	_ =	swait.ge [sflag:s29], $0x1  }
0xc3: {  	[sflag:s29] =	ssyncadd.s32 $0xFFFFFFFF  }
0xc4: {  	_ =	strace $0x9000004B  }
0xc5: {  	_ =	sfence  }
0xc6: {  	s30 =	sld [smem:$0x0];
	_ =	sdelay $0x2  }
0xc7: {  	s31 =	sshll.u32 s1, $0xD;
	s1 =	sshrl.u32 s1, $0x2  }
0xc8: {  	s4 =	sand.u32 $0x4000, s31;
	s1 =	sadd.s32 s1, s30  }
0xc9: {  	s0 =	sor.u32 s4, s0;
	s1 =	sshll.u32 s1, $0x11  }
0xca: {  	s0 =	sor.u32 s1, s0  }
0xcb: {  	s0 =	sadd.s32 $0x8F2B, s0  }
0xcc: {  	[sflag:s0] =	ssyncadd.remote.s32 $0x1  }
0xcd: {  	_ =	sfence.sel $0xFFFF  }
0xce: {  	[dreg:$0x0] =	wrdreg $0xFFFFFFFF;
	(pc) =	sbr.abs _section_cstart, $3  }
0xcf: {  	[dreg:$0x1] =	wrdreg $0xFFFFFFFF  }
0xd0: {  	_ =	task.clear_ibuf [dreg:s22], $0x2FFFF;
	_ =	strace $0x9FFFFFFF  }
0xd1: {  	(tm) =	ssettm $0x7FFFFFFF  }
tec
execute0_lowered:
.L_overlay_start_1:
0x0: {  	(tag) =	ssettag $0x1  }
0x1: {  	s1 =	srdreg.scid;
	s5 =	rddreg [dreg:$0x0]  }
0x2: {  	s0 =	stileid.u32;
	s2 =	rddreg [dreg:$0x1];
	s3 =	simm.s32 $0x0  }
0x3: {  	s14 =	simm.s32 $0x0;
	s4 =	sand.u32 $0x1, s1;
	s1 =	rddreg [dreg:$0x2]  }
0x4: {  	s25 =	sshll.u32 s0, $0x1;
	s7 =	smul.u32 $0x14000, s0;
	[smem:$0x7FF] =	sst s3  }
0x5: {  	s29 =	smul.u32 $0x50000, s0;
	s31 =	sshll.u32 s0, $0x6;
	s6 =	sor.u32 s4, s25  }
0x6: {  	s9 =	smul.u32 $0x140000, s4;
	_ =	strace $0x8000004A;
	s28 =	ssub.s32 $0x2, s4  }
0x7: {  	s4 =	sadd.s32 $0xD7800, s5;
	s6 =	smul.u32 $0x680, s6;
	s8 =	sshrl.u32 s7, $0x3  }
0x8: {  	s11 =	sshrl.u32 s28, $0x1;
	s30 =	sshrl.u32 s29, $0x2;
	s26 =	sadd.s32 s8, s5  }
0x9: {  	s7 =	sadd.s32 s7, s9;
	s11 =	ssub.s32 s28, s11;
	s13 =	sadd.s32 s30, s2  }
0xa: {  	s10 =	sadd.s32 s6, s5;
	s7 =	sshrl.u32 s7, $0x3;
	s6 =	sor.u32 $0x1C01, s31  }
0xb: {  	s9 =	smax.u32 s11, $0x1;
	s11 =	simm.s32 $0x1;
	s12 =	sadd.s32 s7, s5  }
0xc: {  	s5 =	sadd.s32 $0x52800, s26;
	s7 =	sadd.s32 $0xCA800, s10;
	s10 =	sshrl.u32 s13, $0x3  }
0xd: {  	s13 =	simm.s32 $0x64;
	s8 =	sadd.s32 $0xD8000, s12;
	s12 =	simm.s32 $0x3400  }
.LBB2_1:
0xe: {  	[spmem:s10], [sflag:s6] =	dma.local [hbm:s5], $0x2800  }
0xf: {  	_ =	swait.ge [sflag:s11], $0x2800  }
0x10: {  	[sflag:s11] =	ssyncset.done $0x0  }
0x11: {  	[sflag:s11] =	ssyncadd.s32 $0xFFFFD800  }
0x12: {  	[tilespmem:s12], [sflag:$0x1] =	stream.linear.gather [hbm4b:s4+s3], $0x3200, $0x38;
	[tilespmem:$0x1A800] =	vst v63  }
0x13: {  	_ =	swait.ge [sflag:s11], $0x3200  }
0x14: {  	[sflag:s11] =	ssyncset.done $0x0  }
0x15: {  	[sflag:s11] =	ssyncadd.s32 $0xFFFFCE00  }
0x16: {  	[tilespmem:s3], [sflag:$0x1] =	stream.linear.gather [hbm4b:s7+s3], $0x3200, $0x38;
	[tilespmem:$0x1A800] =	vst v63  }
0x17: {  	_ =	swait.ge [sflag:s11], $0x3200  }
0x18: {  	[sflag:s11] =	ssyncset.done $0x0  }
0x19: {  	[sflag:s11] =	ssyncadd.s32 $0xFFFFCE00  }
0x1a: {  	s15 =	simm.s32 $0x0;
	[bflag:$0x0] =	sbarrier.arrive $0xFFFF  }
0x1b: {  	[spmem:s2] =	stream.indirect.scatter.add.f32 [tilespmem:s12], [sflag:$0x1], $0x80, s15, s13, $0xb8;
	[tilespmem:$0x1A800] =	vst v63  }
0x1c: {  	_ =	swait.ge [sflag:s11], $0x3200  }
0x1d: {  	s15 =	simm.s32 $0x200;
	[sflag:s11] =	ssyncset.done $0x0  }
.LBB2_2:
0x1e: {  	s16 =	sshra.s32 s15, $0x2;
	[sflag:s11] =	ssyncadd.s32 $0xFFFFCE00;
	p0 =	sne.s32 s15, $0xC600  }
0x1f: {  	[spmem:s2] =	stream.indirect.scatter.add.f32 [tilespmem:s12], [sflag:$0x1], $0x80, s16, s13, $0xb8;
	[tilespmem:$0x1A800] =	vst v63  }
.Ltmp0:
0x20: {  	_ = 	snop;
	(pc) =	sbr.rel @p0 .LBB2_2-.Ltmp0, $4  }
0x21: {  	_ = 	snop  }
0x22: {  	s15 =	sadd.s32 $0x200, s15  }
0x23: {  	_ =	swait.ge [sflag:s11], $0x3200  }
0x24: {  	[sflag:s11] =	ssyncset.done $0x0  }
0x25: {  	s14 =	sadd.s32 $0x1, s14  }
0x26: {  	[sflag:s11] =	ssyncadd.s32 $0xFFFFCE00;
	p0 =	sne.s32 s14, s9  }
.Ltmp1:
0x27: {  	[bflag:$0x0] =	sbarrier.arrive $0xFFFF;
	(pc) =	sbr.rel @p0 .LBB2_1-.Ltmp1, $4  }
0x28: {  	[hbm:s8], [sflag:s6] =	dma.local [spmem:s10], $0x2800  }
0x29: {  	_ =	swait.ge [sflag:s11], $0x2800  }
0x2a: {  	[sflag:s11] =	ssyncset.done $0x0  }
0x2b: {  	[sflag:s11] =	ssyncadd.s32 $0xFFFFD800  }
0x2c: {  	_ =	sfence.sel $0x180000  }
0x2d: {  	[bflag:$0x0] =	sbarrier.arrive $0xFFFF  }
0x2e: {  	p0 =	sne.s32 s0, $0x0;
	_ =	strace $0x9000004A  }
0x2f: {  	s0 =	sadd.s32 @!p0 $0x100000, s1;
	[bflag:$0x2] =	sbarrier.arrive $0xFFFF  }
0x30: {  	[sflag:s0] =	ssyncadd.tile.s32 @!p0 $0x1;
	_ =	shalt  }
.Lfunc_end2:
_tile_overlayer_lowered:
.L_overlay_start_2:
0x31: {  	(tag) =	ssettag $0x2  }
0x32: {  	s0 =	rddreg [dreg:$0x0];
	s2 =	stileid.u32  }
0x33: {  	s1 =	rddreg [dreg:$0x1];
	p0 =	sne.s32 s2, $0x0  }
0x34: {  	s3 =	rddreg [dreg:$0x2];
	[bflag:$0x3] =	sbarrier.arrive $0xFFFF;
	s2 =	simm.s32 @!p0 $0x1C01  }
0x35: {  	[timem:s3], [sflag:s2] =	dma.local @!p0 [hbm:s0], s1  }
0x36: {  	s0 =	simm.s32 @!p0 $0x1  }
0x37: {  	_ =	swait.ge @!p0 [sflag:s0], s1  }
0x38: {  	s1 =	ssub.s32 @!p0 $0x0, s1;
	[sflag:s0] =	ssyncset.done @!p0 $0x0  }
0x39: {  	[sflag:s0] =	ssyncadd.s32 @!p0 s1  }
0x3a: {  	[bflag:$0x3] =	sbarrier.arrive $0xFFFF  }
0x3b: {  	_ =	shalt  }

</sc_bundles>
